<compile_context>
chip_gen: v7x
topology: tpu7x:2x2x1
jax: 0.10.2.dev20260603
libtpu: 0.0.44.dev20260713+nightly
codegen_flags: <defaults>
</compile_context>

<pallas_src>
import dataclasses
import functools

import jax
import jax.numpy as jnp
from jax import lax
from jax.experimental import pallas as pl
from jax.experimental.pallas import tpu as pltpu
from jax.experimental.pallas import tpu_sc as plsc

NC = 2
NS = 16
L = 16
CHUNK = 128
DEG_W = 16
G = 4


def _sc_aggregate(xall, src_p, dst_p, zeros_feat, n_pad, cps, dh):
    mesh = plsc.VectorSubcoreMesh(core_axis_name="c", subcore_axis_name="s")
    rpw = n_pad // NS

    full_blks, tail = rpw // CHUNK, rpw % CHUNK
    blks = [(k * CHUNK, CHUNK) for k in range(full_blks)]
    if tail:
        blks.append((full_blks * CHUNK, tail))

    cp = pltpu.CompilerParams()
    if "needs_layout_passes" in pltpu.CompilerParams.__dataclass_fields__:
        cp = dataclasses.replace(cp, needs_layout_passes=False)

    @functools.partial(
        pl.kernel,
        compiler_params=cp,
        out_type=[
            jax.ShapeDtypeStruct((NC * n_pad, dh), jnp.float32),
            jax.ShapeDtypeStruct((NC * NS, n_pad), jnp.float32),
        ],
        mesh=mesh,
        scratch_types=[
            pltpu.VMEM((G, CHUNK), jnp.int32),
            pltpu.VMEM((2, G, CHUNK), jnp.int32),
            pltpu.VMEM((2, CHUNK, dh), jnp.float32),
            pltpu.VMEM((n_pad,), jnp.float32),
            pltpu.VMEM_SHARED((n_pad, dh), jnp.float32),
            pltpu.SemaphoreType.DMA,
            pltpu.SemaphoreType.DMA,
            pltpu.SemaphoreType.DMA,
            pltpu.SemaphoreType.DMA,
        ],
    )
    def k(xall_hbm, src_hbm, dst_hbm, zf_hbm,
          sum_out, parts_out,
          sidx_v, didx_v, rows_v, dloc_v,
          acc, gsem0, gsem1, ssem0, ssem1):
        c = lax.axis_index("c")
        s = lax.axis_index("s")
        base = s * rpw
        obase = c * n_pad + s * rpw
        ones16 = jnp.full((L,), 1.0, jnp.float32)

        zero16 = jnp.zeros((L,), jnp.float32)

        @pl.loop(0, n_pad, step=L)
        def _(i):
            dloc_v[pl.ds(i, L)] = zero16

        pltpu.sync_copy(zf_hbm, rows_v.at[0])
        for off, nrows in blks:
            pltpu.sync_copy(rows_v.at[0].at[pl.ds(0, nrows)],
                            acc.at[pl.ds(base + off, nrows)])
        plsc.subcore_barrier()

        gsems = (gsem0, gsem1)
        ssems = (ssem0, ssem1)
        ng = cps // G

        def wait_gather(j, b):
            pltpu.make_async_copy(xall_hbm.at[sidx_v.at[j]],
                                  rows_v.at[b], gsems[b]).wait()

        def wait_scatter(p, b):
            pltpu.make_async_copy(rows_v.at[b],
                                  acc.at[didx_v.at[p].at[0]],
                                  ssems[b]).wait()

        pltpu.sync_copy(src_hbm.at[c].at[s].at[pl.ds(0, G)], sidx_v)
        pltpu.sync_copy(dst_hbm.at[s].at[pl.ds(0, G)], didx_v.at[0])
        pltpu.async_copy(xall_hbm.at[sidx_v.at[0]], rows_v.at[0], gsems[0])

        @pl.loop(0, ng)
        def _(g):
            p = g % 2
            for j in range(G):
                b = j % 2
                if j + 1 < G:
                    if j == 0:
                        @pl.when(g > 0)
                        def _():
                            wait_scatter(1 - p, 1 - b)
                    else:
                        wait_scatter(p, 1 - b)
                    pltpu.async_copy(xall_hbm.at[sidx_v.at[j + 1]],
                                     rows_v.at[1 - b], gsems[1 - b])
                wait_gather(j, b)
                pltpu.async_copy(rows_v.at[b], acc.at[didx_v.at[p].at[j]],
                                 ssems[b], add=True)
                if j + 1 == G:
                    @pl.when(g + 1 < ng)
                    def _():
                        pltpu.sync_copy(
                            src_hbm.at[c].at[s].at[pl.ds((g + 1) * G, G)],
                            sidx_v)
                        pltpu.sync_copy(
                            dst_hbm.at[s].at[pl.ds((g + 1) * G, G)],
                            didx_v.at[1 - p])
                        wait_scatter(p, 1 - b)
                        pltpu.async_copy(xall_hbm.at[sidx_v.at[0]],
                                         rows_v.at[1 - b], gsems[1 - b])
                for q in range(CHUNK // L):
                    idx16 = didx_v[p, j, pl.ds(q * L, L)]
                    plsc.addupdate_scatter(dloc_v, [idx16], ones16)

        wait_scatter((ng - 1) % 2, (G - 2) % 2)
        wait_scatter((ng - 1) % 2, (G - 1) % 2)

        pltpu.sync_copy(dloc_v, parts_out.at[c * NS + s])
        plsc.subcore_barrier()

        for off, nrows in blks:
            pltpu.sync_copy(acc.at[pl.ds(base + off, nrows)],
                            rows_v.at[0].at[pl.ds(0, nrows)])
            pltpu.sync_copy(rows_v.at[0].at[pl.ds(0, nrows)],
                            sum_out.at[pl.ds(obase + off, nrows)])

    return k(xall, src_p, dst_p, zeros_feat)


def _tc_combine(x, summed, degs, wl0, wl1, wrt, b2, n, d_out, dh):
    bm = 1024
    grid = ((n + bm - 1) // bm,)

    def body(x_ref, s0_ref, s1_ref, p_ref,
             wl0_ref, wl1_ref, wrt_ref, b_ref, o_ref):
        deg = lax.dot_general(p_ref[...], jnp.ones((NS, 1), jnp.float32),
                              dimension_numbers=(((0,), (0,)), ((), ())),
                              preferred_element_type=jnp.float32)
        r = 1.0 / jnp.maximum(deg, 1.0)
        a0 = s0_ref[0] * r
        a1 = s1_ref[0] * r
        z = (jnp.dot(a0, wl0_ref[...], preferred_element_type=jnp.float32)
             + jnp.dot(a1, wl1_ref[...], preferred_element_type=jnp.float32)
             + jnp.dot(x_ref[...], wrt_ref[...],
                       preferred_element_type=jnp.float32)
             + b_ref[...])
        o_ref[...] = jnp.maximum(z, 0.0)

    return pl.pallas_call(
        body,
        grid=grid,
        in_specs=[
            pl.BlockSpec((bm, 2 * dh), lambda i: (i, 0)),
            pl.BlockSpec((1, bm, dh), lambda i: (0, i, 0)),
            pl.BlockSpec((1, bm, dh), lambda i: (1, i, 0)),
            pl.BlockSpec((NS, bm), lambda i: (0, i)),
            pl.BlockSpec((dh, d_out), lambda i: (0, 0)),
            pl.BlockSpec((dh, d_out), lambda i: (0, 0)),
            pl.BlockSpec((2 * dh, d_out), lambda i: (0, 0)),
            pl.BlockSpec((1, d_out), lambda i: (0, 0)),
        ],
        out_specs=pl.BlockSpec((bm, d_out), lambda i: (i, 0)),
        out_shape=jax.ShapeDtypeStruct((n, d_out), jnp.float32),
    )(x, summed, summed, degs, wl0, wl1, wrt, b2)


def kernel(x, edge_index, W_l, b_l, W_r):
    n, d_in = x.shape
    d_out = W_l.shape[0]
    dh = d_in // 2
    e = edge_index.shape[1]

    eps = ((e + NS * G * CHUNK - 1) // (NS * G * CHUNK)) * G * CHUNK
    e_pad = eps * NS
    cps = eps // CHUNK
    n_pad = ((n + 1 + NS * CHUNK - 1) // (NS * CHUNK)) * (NS * CHUNK)

    src = edge_index[0].astype(jnp.int32)
    dst = edge_index[1].astype(jnp.int32)
    pad = e_pad - e
    src_flat = jnp.concatenate([src, jnp.zeros((pad,), jnp.int32)])
    dst_flat = jnp.concatenate([dst, jnp.full((pad,), n, jnp.int32)])
    src_p = jnp.stack([src_flat, src_flat + n]).reshape(NC, NS, cps, CHUNK)
    dst_p = dst_flat.reshape(NS, cps, CHUNK)
    xall = x.reshape(n, NC, dh).transpose(1, 0, 2).reshape(NC * n, dh)

    zeros_feat = jnp.zeros((CHUNK, dh), jnp.float32)

    summed, parts = _sc_aggregate(xall, src_p, dst_p, zeros_feat,
                                  n_pad, cps, dh)
    summed = summed.reshape(NC, n_pad, dh)

    wl0 = W_l[:, :dh].T
    wl1 = W_l[:, dh:].T
    wrt = W_r.T
    b2 = b_l.reshape(1, d_out)
    return _tc_combine(x, summed, parts, wl0, wl1, wrt, b2, n, d_out, dh)

# --- scband reference (transcript-rebuilt; emitter-appended) ---
"""Pipeline reference for scband-gcn-83073257439788 (READ-ONLY COPY).

The authoritative reference and input builder live on the scoring server;
editing this copy changes nothing except your own understanding.
"""

import jax, jax.numpy as jnp
import numpy as np

N_NODES = 10000
N_EDGES = 160000
D_IN = 256
D_OUT = 512


def setup_inputs(seed: int = 0) -> dict:
    key = jax.random.key(seed)
    k1, k2, k3, k4 = jax.random.split(key, 4)
    x = jax.random.normal(k1, (N_NODES, D_IN), dtype=jnp.float32)
    edge_index = jax.random.randint(k2, (2, N_EDGES), 0, N_NODES, dtype=jnp.int32).astype(jnp.int64)
    # SAGEConv parameters: lin_l (applied to aggregated neighbors, with bias),
    # lin_r (applied to root/self features, no bias)
    W_l = jax.random.normal(k3, (D_OUT, D_IN), dtype=jnp.float32) * 0.05
    b_l = jnp.zeros((D_OUT,), dtype=jnp.float32)
    W_r = jax.random.normal(k4, (D_OUT, D_IN), dtype=jnp.float32) * 0.05
    return {"x": x, "edge_index": edge_index, "W_l": W_l, "b_l": b_l, "W_r": W_r}


def reference(x, edge_index, W_l, b_l, W_r):
    # SAGEConv with mean aggregation (PyG default):
    # out = lin_l(mean_{j in N(i)} x_j) + lin_r(x_i), followed by ReLU.
    src = edge_index[0]
    dst = edge_index[1]
    msgs = jnp.take(x, src, axis=0)                       # gather source features [E, D_IN]
    summed = jax.ops.segment_sum(msgs, dst, num_segments=N_NODES)
    deg = jax.ops.segment_sum(jnp.ones((msgs.shape[0],), dtype=x.dtype), dst, num_segments=N_NODES)
    agg = summed / jnp.clip(deg, 1.0)[:, None]            # mean aggregation
    out = agg @ W_l.T + b_l + x @ W_r.T                   # lin_l(agg) + lin_r(x)
    return jax.nn.relu(out)

if __name__ == "__main__":
    import jax
    _d = setup_inputs()
    print(jax.jit(kernel)(*tuple(_d.values())))

</pallas_src>

<mosaic_0001>
#map = affine_map<(d0, d1) -> (0, 0)>
#map1 = affine_map<(d0, d1) -> (0, 0, 0, 0)>
#map2 = affine_map<(d0, d1) -> (0, 0, 0)>
module attributes {stable_mosaic.version = 14 : i64} {
  func.func @k(%arg0: i32, %arg1: i32, %arg2: memref<20000x128xf32, #tpu.memory_space<hbm>>, %arg3: memref<2x16x80x128xi32, #tpu.memory_space<hbm>>, %arg4: memref<16x80x128xi32, #tpu.memory_space<hbm>>, %arg5: memref<128x128xf32, #tpu.memory_space<hbm>>, %arg6: memref<20480x128xf32, #tpu.memory_space<hbm>>, %arg7: memref<32x10240xf32, #tpu.memory_space<hbm>>, %arg8: memref<4x128xi32, #tpu.memory_space<vmem>>, %arg9: memref<2x4x128xi32, #tpu.memory_space<vmem>>, %arg10: memref<2x128x128xf32, #tpu.memory_space<vmem>>, %arg11: memref<10240xf32, #tpu.memory_space<vmem>>, %arg12: memref<10240x128xf32, #tpu.memory_space<vmem_shared>>, %arg13: memref<!tpu.dma_semaphore, #tpu.memory_space<semaphore_mem>>, %arg14: memref<!tpu.dma_semaphore, #tpu.memory_space<semaphore_mem>>, %arg15: memref<!tpu.dma_semaphore, #tpu.memory_space<semaphore_mem>>, %arg16: memref<!tpu.dma_semaphore, #tpu.memory_space<semaphore_mem>>) attributes {dimension_semantics = [#tpu.dimension_semantics<core_parallel>, #tpu.dimension_semantics<subcore_parallel>], iteration_bounds = array<i64: 2, 16>, scalar_prefetch = 0 : i64, scratch_operands = 9 : i64, tpu.core_type = #tpu.core_type<sc_vector_subcore>, window_params = [{transform_indices = #map}, {transform_indices = #map1}, {transform_indices = #map2}, {transform_indices = #map}, {transform_indices = #map}, {transform_indices = #map}]} {
    %mul3A = arith.constant 640 : i32
    %mul3A_0 = arith.muli %arg1, %mul3A : i32
    %mul3A_1 = arith.constant 10240 : i32
    %mul3A_2 = arith.muli %arg0, %mul3A_1 : i32
    %mul3A_3 = arith.constant 640 : i32
    %mul3A_4 = arith.muli %arg1, %mul3A_3 : i32
    %add3A = arith.addi %mul3A_2, %mul3A_4 : i32
    %broadcast_in_dim3A = arith.constant 1.000000e+00 : f32
    %broadcast_in_dim3A_5 = vector.broadcast %broadcast_in_dim3A : f32 to vector<16xf32>
    %broadcast_in_dim3A_6 = arith.constant 0.000000e+00 : f32
    %broadcast_in_dim3A_7 = vector.broadcast %broadcast_in_dim3A_6 : f32 to vector<16xf32>
    %scan3A = arith.constant 0 : i32
    %scan3A_8 = arith.constant 640 : i32
    %scan3A_9 = arith.addi %scan3A, %scan3A_8 : i32
    %scan3A_10 = arith.constant 1 : i32
    scf.for %scan3A_111 = %scan3A to %scan3A_9 step %scan3A_10  : i32 {
      %mul3A_112 = arith.constant 16 : i32
      %mul3A_113 = arith.muli %scan3A_111, %mul3A_112 : i32
      %add3A_114 = arith.constant 0 : i32
      %add3A_115 = arith.addi %add3A_114, %mul3A_113 : i32
      %swap3A = arith.index_cast %add3A_115 : i32 to index
      %swap3A_116 = tpu.vector_load %arg11[%swap3A] {strides = array<i32>} : memref<10240xf32, #tpu.memory_space<vmem>>, vector<16xf32>,
      tpu.vector_store %arg11[%swap3A], %broadcast_in_dim3A_7 {strides = array<i32>} : memref<10240xf32, #tpu.memory_space<vmem>>, vector<16xf32>,
    }
    %scan3A_11 = arith.constant 640 : i32
    %run_scoped3A = arith.constant 0 : i32
    "tpu.region"() ({
      %run_scoped3A_111 = tpu.sem_alloc : memref<!tpu.dma_semaphore, #tpu.memory_space<semaphore_mem>>
      %dma_start3A_112 = arith.constant 0 : i32
      %dma_start3A_113 = arith.constant 0 : i32
      %dma_start3A_114 = tpu.memref_slice %arg10[%run_scoped3A, %dma_start3A_112, %dma_start3A_113] : memref<2x128x128xf32, #tpu.memory_space<vmem>> -> memref<1x128x128xf32, #tpu.memory_space<vmem>>
      %dma_start3A_115 = tpu.memref_squeeze %dma_start3A_114 : memref<1x128x128xf32, #tpu.memory_space<vmem>> -> memref<128x128xf32, #tpu.memory_space<vmem>>
      %dma_start3A_116 = arith.constant 0 : i32
      %dma_start3A_117 = arith.constant 0 : i32
      %dma_start3A_118 = tpu.memref_slice %arg10[%run_scoped3A, %dma_start3A_116, %dma_start3A_117] : memref<2x128x128xf32, #tpu.memory_space<vmem>> -> memref<1x128x128xf32, #tpu.memory_space<vmem>>
      %dma_start3A_119 = tpu.memref_squeeze %dma_start3A_118 : memref<1x128x128xf32, #tpu.memory_space<vmem>> -> memref<128x128xf32, #tpu.memory_space<vmem>>
      tpu.enqueue_dma source(%arg5 : memref<128x128xf32, #tpu.memory_space<hbm>>) target(%dma_start3A_119 : memref<128x128xf32, #tpu.memory_space<vmem>>) target_semaphore(%run_scoped3A_111 : memref<!tpu.dma_semaphore, #tpu.memory_space<semaphore_mem>>)
      %dma_wait3A_120 = arith.constant 0 : i32
      %dma_wait3A_121 = arith.constant 0 : i32
      %dma_wait3A_122 = tpu.memref_slice %arg10[%run_scoped3A, %dma_wait3A_120, %dma_wait3A_121] : memref<2x128x128xf32, #tpu.memory_space<vmem>> -> memref<1x128x128xf32, #tpu.memory_space<vmem>>
      %dma_wait3A_123 = tpu.memref_squeeze %dma_wait3A_122 : memref<1x128x128xf32, #tpu.memory_space<vmem>> -> memref<128x128xf32, #tpu.memory_space<vmem>>
      %dma_wait3A_124 = arith.constant 0 : i32
      %dma_wait3A_125 = arith.constant 0 : i32
      %dma_wait3A_126 = tpu.memref_slice %arg10[%run_scoped3A, %dma_wait3A_124, %dma_wait3A_125] : memref<2x128x128xf32, #tpu.memory_space<vmem>> -> memref<1x128x128xf32, #tpu.memory_space<vmem>>
      %dma_wait3A_127 = tpu.memref_squeeze %dma_wait3A_126 : memref<1x128x128xf32, #tpu.memory_space<vmem>> -> memref<128x128xf32, #tpu.memory_space<vmem>>
      tpu.wait_dma2 semaphore(%run_scoped3A_111 : memref<!tpu.dma_semaphore, #tpu.memory_space<semaphore_mem>>) src(%arg5 : memref<128x128xf32, #tpu.memory_space<hbm>>) dst(%dma_wait3A_127 : memref<128x128xf32, #tpu.memory_space<vmem>>)
      tpu.yield
    }) : () -> ()
    %add3A_12 = arith.constant 0 : i32
    %add3A_13 = arith.addi %mul3A_0, %add3A_12 : i32
    %run_scoped3A_14 = arith.constant 0 : i32
    "tpu.region"() ({
      %run_scoped3A_111 = tpu.sem_alloc : memref<!tpu.dma_semaphore, #tpu.memory_space<semaphore_mem>>
      %dma_start3A_112 = arith.constant 0 : i32
      %dma_start3A_113 = arith.constant 0 : i32
      %dma_start3A_114 = tpu.memref_slice %arg10[%run_scoped3A_14, %dma_start3A_112, %dma_start3A_113] : memref<2x128x128xf32, #tpu.memory_space<vmem>> -> memref<1x128x128xf32, #tpu.memory_space<vmem>>
      %dma_start3A_115 = tpu.memref_squeeze %dma_start3A_114 : memref<1x128x128xf32, #tpu.memory_space<vmem>> -> memref<128x128xf32, #tpu.memory_space<vmem>>
      %dma_start3A_116 = arith.constant 0 : i32
      %dma_start3A_117 = arith.constant 0 : i32
      %dma_start3A_118 = tpu.memref_slice %dma_start3A_115[%dma_start3A_116, %dma_start3A_117] : memref<128x128xf32, #tpu.memory_space<vmem>> -> memref<128x128xf32, #tpu.memory_space<vmem>>
      %dma_start3A_119 = arith.constant 0 : i32
      %dma_start3A_120 = tpu.memref_slice %arg12[%add3A_13, %dma_start3A_119] : memref<10240x128xf32, #tpu.memory_space<vmem_shared>> -> memref<128x128xf32, #tpu.memory_space<vmem_shared>>
      %dma_start3A_121 = arith.constant 0 : i32
      %dma_start3A_122 = tpu.memref_slice %arg12[%add3A_13, %dma_start3A_121] : memref<10240x128xf32, #tpu.memory_space<vmem_shared>> -> memref<128x128xf32, #tpu.memory_space<vmem_shared>>
      %dma_start3A_123 = arith.constant 0 : i32
      %dma_start3A_124 = arith.constant 0 : i32
      %dma_start3A_125 = tpu.memref_slice %arg10[%run_scoped3A_14, %dma_start3A_123, %dma_start3A_124] : memref<2x128x128xf32, #tpu.memory_space<vmem>> -> memref<1x128x128xf32, #tpu.memory_space<vmem>>
      %dma_start3A_126 = tpu.memref_squeeze %dma_start3A_125 : memref<1x128x128xf32, #tpu.memory_space<vmem>> -> memref<128x128xf32, #tpu.memory_space<vmem>>
      %dma_start3A_127 = arith.constant 0 : i32
      %dma_start3A_128 = arith.constant 0 : i32
      %dma_start3A_129 = tpu.memref_slice %dma_start3A_126[%dma_start3A_127, %dma_start3A_128] : memref<128x128xf32, #tpu.memory_space<vmem>> -> memref<128x128xf32, #tpu.memory_space<vmem>>
      tpu.enqueue_dma source(%dma_start3A_129 : memref<128x128xf32, #tpu.memory_space<vmem>>) target(%dma_start3A_122 : memref<128x128xf32, #tpu.memory_space<vmem_shared>>) target_semaphore(%run_scoped3A_111 : memref<!tpu.dma_semaphore, #tpu.memory_space<semaphore_mem>>)
      %dma_wait3A_130 = arith.constant 0 : i32
      %dma_wait3A_131 = arith.constant 0 : i32
      %dma_wait3A_132 = tpu.memref_slice %arg10[%run_scoped3A_14, %dma_wait3A_130, %dma_wait3A_131] : memref<2x128x128xf32, #tpu.memory_space<vmem>> -> memref<1x128x128xf32, #tpu.memory_space<vmem>>
      %dma_wait3A_133 = tpu.memref_squeeze %dma_wait3A_132 : memref<1x128x128xf32, #tpu.memory_space<vmem>> -> memref<128x128xf32, #tpu.memory_space<vmem>>
      %dma_wait3A_134 = arith.constant 0 : i32
      %dma_wait3A_135 = arith.constant 0 : i32
      %dma_wait3A_136 = tpu.memref_slice %dma_wait3A_133[%dma_wait3A_134, %dma_wait3A_135] : memref<128x128xf32, #tpu.memory_space<vmem>> -> memref<128x128xf32, #tpu.memory_space<vmem>>
      %dma_wait3A_137 = arith.constant 0 : i32
      %dma_wait3A_138 = tpu.memref_slice %arg12[%add3A_13, %dma_wait3A_137] : memref<10240x128xf32, #tpu.memory_space<vmem_shared>> -> memref<128x128xf32, #tpu.memory_space<vmem_shared>>
      %dma_wait3A_139 = arith.constant 0 : i32
      %dma_wait3A_140 = tpu.memref_slice %arg12[%add3A_13, %dma_wait3A_139] : memref<10240x128xf32, #tpu.memory_space<vmem_shared>> -> memref<128x128xf32, #tpu.memory_space<vmem_shared>>
      %dma_wait3A_141 = arith.constant 0 : i32
      %dma_wait3A_142 = arith.constant 0 : i32
      %dma_wait3A_143 = tpu.memref_slice %arg10[%run_scoped3A_14, %dma_wait3A_141, %dma_wait3A_142] : memref<2x128x128xf32, #tpu.memory_space<vmem>> -> memref<1x128x128xf32, #tpu.memory_space<vmem>>
      %dma_wait3A_144 = tpu.memref_squeeze %dma_wait3A_143 : memref<1x128x128xf32, #tpu.memory_space<vmem>> -> memref<128x128xf32, #tpu.memory_space<vmem>>
      %dma_wait3A_145 = arith.constant 0 : i32
      %dma_wait3A_146 = arith.constant 0 : i32
      %dma_wait3A_147 = tpu.memref_slice %dma_wait3A_144[%dma_wait3A_145, %dma_wait3A_146] : memref<128x128xf32, #tpu.memory_space<vmem>> -> memref<128x128xf32, #tpu.memory_space<vmem>>
      tpu.wait_dma2 semaphore(%run_scoped3A_111 : memref<!tpu.dma_semaphore, #tpu.memory_space<semaphore_mem>>) src(%dma_wait3A_147 : memref<128x128xf32, #tpu.memory_space<vmem>>) dst(%dma_wait3A_140 : memref<128x128xf32, #tpu.memory_space<vmem_shared>>)
      tpu.yield
    }) : () -> ()
    %add3A_15 = arith.constant 128 : i32
    %add3A_16 = arith.addi %mul3A_0, %add3A_15 : i32
    %run_scoped3A_17 = arith.constant 0 : i32
    "tpu.region"() ({
      %run_scoped3A_111 = tpu.sem_alloc : memref<!tpu.dma_semaphore, #tpu.memory_space<semaphore_mem>>
      %dma_start3A_112 = arith.constant 0 : i32
      %dma_start3A_113 = arith.constant 0 : i32
      %dma_start3A_114 = tpu.memref_slice %arg10[%run_scoped3A_17, %dma_start3A_112, %dma_start3A_113] : memref<2x128x128xf32, #tpu.memory_space<vmem>> -> memref<1x128x128xf32, #tpu.memory_space<vmem>>
      %dma_start3A_115 = tpu.memref_squeeze %dma_start3A_114 : memref<1x128x128xf32, #tpu.memory_space<vmem>> -> memref<128x128xf32, #tpu.memory_space<vmem>>
      %dma_start3A_116 = arith.constant 0 : i32
      %dma_start3A_117 = arith.constant 0 : i32
      %dma_start3A_118 = tpu.memref_slice %dma_start3A_115[%dma_start3A_116, %dma_start3A_117] : memref<128x128xf32, #tpu.memory_space<vmem>> -> memref<128x128xf32, #tpu.memory_space<vmem>>
      %dma_start3A_119 = arith.constant 0 : i32
      %dma_start3A_120 = tpu.memref_slice %arg12[%add3A_16, %dma_start3A_119] : memref<10240x128xf32, #tpu.memory_space<vmem_shared>> -> memref<128x128xf32, #tpu.memory_space<vmem_shared>>
      %dma_start3A_121 = arith.constant 0 : i32
      %dma_start3A_122 = tpu.memref_slice %arg12[%add3A_16, %dma_start3A_121] : memref<10240x128xf32, #tpu.memory_space<vmem_shared>> -> memref<128x128xf32, #tpu.memory_space<vmem_shared>>
      %dma_start3A_123 = arith.constant 0 : i32
      %dma_start3A_124 = arith.constant 0 : i32
      %dma_start3A_125 = tpu.memref_slice %arg10[%run_scoped3A_17, %dma_start3A_123, %dma_start3A_124] : memref<2x128x128xf32, #tpu.memory_space<vmem>> -> memref<1x128x128xf32, #tpu.memory_space<vmem>>
      %dma_start3A_126 = tpu.memref_squeeze %dma_start3A_125 : memref<1x128x128xf32, #tpu.memory_space<vmem>> -> memref<128x128xf32, #tpu.memory_space<vmem>>
      %dma_start3A_127 = arith.constant 0 : i32
      %dma_start3A_128 = arith.constant 0 : i32
      %dma_start3A_129 = tpu.memref_slice %dma_start3A_126[%dma_start3A_127, %dma_start3A_128] : memref<128x128xf32, #tpu.memory_space<vmem>> -> memref<128x128xf32, #tpu.memory_space<vmem>>
      tpu.enqueue_dma source(%dma_start3A_129 : memref<128x128xf32, #tpu.memory_space<vmem>>) target(%dma_start3A_122 : memref<128x128xf32, #tpu.memory_space<vmem_shared>>) target_semaphore(%run_scoped3A_111 : memref<!tpu.dma_semaphore, #tpu.memory_space<semaphore_mem>>)
      %dma_wait3A_130 = arith.constant 0 : i32
      %dma_wait3A_131 = arith.constant 0 : i32
      %dma_wait3A_132 = tpu.memref_slice %arg10[%run_scoped3A_17, %dma_wait3A_130, %dma_wait3A_131] : memref<2x128x128xf32, #tpu.memory_space<vmem>> -> memref<1x128x128xf32, #tpu.memory_space<vmem>>
      %dma_wait3A_133 = tpu.memref_squeeze %dma_wait3A_132 : memref<1x128x128xf32, #tpu.memory_space<vmem>> -> memref<128x128xf32, #tpu.memory_space<vmem>>
      %dma_wait3A_134 = arith.constant 0 : i32
      %dma_wait3A_135 = arith.constant 0 : i32
      %dma_wait3A_136 = tpu.memref_slice %dma_wait3A_133[%dma_wait3A_134, %dma_wait3A_135] : memref<128x128xf32, #tpu.memory_space<vmem>> -> memref<128x128xf32, #tpu.memory_space<vmem>>
      %dma_wait3A_137 = arith.constant 0 : i32
      %dma_wait3A_138 = tpu.memref_slice %arg12[%add3A_16, %dma_wait3A_137] : memref<10240x128xf32, #tpu.memory_space<vmem_shared>> -> memref<128x128xf32, #tpu.memory_space<vmem_shared>>
      %dma_wait3A_139 = arith.constant 0 : i32
      %dma_wait3A_140 = tpu.memref_slice %arg12[%add3A_16, %dma_wait3A_139] : memref<10240x128xf32, #tpu.memory_space<vmem_shared>> -> memref<128x128xf32, #tpu.memory_space<vmem_shared>>
      %dma_wait3A_141 = arith.constant 0 : i32
      %dma_wait3A_142 = arith.constant 0 : i32
      %dma_wait3A_143 = tpu.memref_slice %arg10[%run_scoped3A_17, %dma_wait3A_141, %dma_wait3A_142] : memref<2x128x128xf32, #tpu.memory_space<vmem>> -> memref<1x128x128xf32, #tpu.memory_space<vmem>>
      %dma_wait3A_144 = tpu.memref_squeeze %dma_wait3A_143 : memref<1x128x128xf32, #tpu.memory_space<vmem>> -> memref<128x128xf32, #tpu.memory_space<vmem>>
      %dma_wait3A_145 = arith.constant 0 : i32
      %dma_wait3A_146 = arith.constant 0 : i32
      %dma_wait3A_147 = tpu.memref_slice %dma_wait3A_144[%dma_wait3A_145, %dma_wait3A_146] : memref<128x128xf32, #tpu.memory_space<vmem>> -> memref<128x128xf32, #tpu.memory_space<vmem>>
      tpu.wait_dma2 semaphore(%run_scoped3A_111 : memref<!tpu.dma_semaphore, #tpu.memory_space<semaphore_mem>>) src(%dma_wait3A_147 : memref<128x128xf32, #tpu.memory_space<vmem>>) dst(%dma_wait3A_140 : memref<128x128xf32, #tpu.memory_space<vmem_shared>>)
      tpu.yield
    }) : () -> ()
    %add3A_18 = arith.constant 256 : i32
    %add3A_19 = arith.addi %mul3A_0, %add3A_18 : i32
    %run_scoped3A_20 = arith.constant 0 : i32
    "tpu.region"() ({
      %run_scoped3A_111 = tpu.sem_alloc : memref<!tpu.dma_semaphore, #tpu.memory_space<semaphore_mem>>
      %dma_start3A_112 = arith.constant 0 : i32
      %dma_start3A_113 = arith.constant 0 : i32
      %dma_start3A_114 = tpu.memref_slice %arg10[%run_scoped3A_20, %dma_start3A_112, %dma_start3A_113] : memref<2x128x128xf32, #tpu.memory_space<vmem>> -> memref<1x128x128xf32, #tpu.memory_space<vmem>>
      %dma_start3A_115 = tpu.memref_squeeze %dma_start3A_114 : memref<1x128x128xf32, #tpu.memory_space<vmem>> -> memref<128x128xf32, #tpu.memory_space<vmem>>
      %dma_start3A_116 = arith.constant 0 : i32
      %dma_start3A_117 = arith.constant 0 : i32
      %dma_start3A_118 = tpu.memref_slice %dma_start3A_115[%dma_start3A_116, %dma_start3A_117] : memref<128x128xf32, #tpu.memory_space<vmem>> -> memref<128x128xf32, #tpu.memory_space<vmem>>
      %dma_start3A_119 = arith.constant 0 : i32
      %dma_start3A_120 = tpu.memref_slice %arg12[%add3A_19, %dma_start3A_119] : memref<10240x128xf32, #tpu.memory_space<vmem_shared>> -> memref<128x128xf32, #tpu.memory_space<vmem_shared>>
      %dma_start3A_121 = arith.constant 0 : i32
      %dma_start3A_122 = tpu.memref_slice %arg12[%add3A_19, %dma_start3A_121] : memref<10240x128xf32, #tpu.memory_space<vmem_shared>> -> memref<128x128xf32, #tpu.memory_space<vmem_shared>>
      %dma_start3A_123 = arith.constant 0 : i32
      %dma_start3A_124 = arith.constant 0 : i32
      %dma_start3A_125 = tpu.memref_slice %arg10[%run_scoped3A_20, %dma_start3A_123, %dma_start3A_124] : memref<2x128x128xf32, #tpu.memory_space<vmem>> -> memref<1x128x128xf32, #tpu.memory_space<vmem>>
      %dma_start3A_126 = tpu.memref_squeeze %dma_start3A_125 : memref<1x128x128xf32, #tpu.memory_space<vmem>> -> memref<128x128xf32, #tpu.memory_space<vmem>>
      %dma_start3A_127 = arith.constant 0 : i32
      %dma_start3A_128 = arith.constant 0 : i32
      %dma_start3A_129 = tpu.memref_slice %dma_start3A_126[%dma_start3A_127, %dma_start3A_128] : memref<128x128xf32, #tpu.memory_space<vmem>> -> memref<128x128xf32, #tpu.memory_space<vmem>>
      tpu.enqueue_dma source(%dma_start3A_129 : memref<128x128xf32, #tpu.memory_space<vmem>>) target(%dma_start3A_122 : memref<128x128xf32, #tpu.memory_space<vmem_shared>>) target_semaphore(%run_scoped3A_111 : memref<!tpu.dma_semaphore, #tpu.memory_space<semaphore_mem>>)
      %dma_wait3A_130 = arith.constant 0 : i32
      %dma_wait3A_131 = arith.constant 0 : i32
      %dma_wait3A_132 = tpu.memref_slice %arg10[%run_scoped3A_20, %dma_wait3A_130, %dma_wait3A_131] : memref<2x128x128xf32, #tpu.memory_space<vmem>> -> memref<1x128x128xf32, #tpu.memory_space<vmem>>
      %dma_wait3A_133 = tpu.memref_squeeze %dma_wait3A_132 : memref<1x128x128xf32, #tpu.memory_space<vmem>> -> memref<128x128xf32, #tpu.memory_space<vmem>>
      %dma_wait3A_134 = arith.constant 0 : i32
      %dma_wait3A_135 = arith.constant 0 : i32
      %dma_wait3A_136 = tpu.memref_slice %dma_wait3A_133[%dma_wait3A_134, %dma_wait3A_135] : memref<128x128xf32, #tpu.memory_space<vmem>> -> memref<128x128xf32, #tpu.memory_space<vmem>>
      %dma_wait3A_137 = arith.constant 0 : i32
      %dma_wait3A_138 = tpu.memref_slice %arg12[%add3A_19, %dma_wait3A_137] : memref<10240x128xf32, #tpu.memory_space<vmem_shared>> -> memref<128x128xf32, #tpu.memory_space<vmem_shared>>
      %dma_wait3A_139 = arith.constant 0 : i32
      %dma_wait3A_140 = tpu.memref_slice %arg12[%add3A_19, %dma_wait3A_139] : memref<10240x128xf32, #tpu.memory_space<vmem_shared>> -> memref<128x128xf32, #tpu.memory_space<vmem_shared>>
      %dma_wait3A_141 = arith.constant 0 : i32
      %dma_wait3A_142 = arith.constant 0 : i32
      %dma_wait3A_143 = tpu.memref_slice %arg10[%run_scoped3A_20, %dma_wait3A_141, %dma_wait3A_142] : memref<2x128x128xf32, #tpu.memory_space<vmem>> -> memref<1x128x128xf32, #tpu.memory_space<vmem>>
      %dma_wait3A_144 = tpu.memref_squeeze %dma_wait3A_143 : memref<1x128x128xf32, #tpu.memory_space<vmem>> -> memref<128x128xf32, #tpu.memory_space<vmem>>
      %dma_wait3A_145 = arith.constant 0 : i32
      %dma_wait3A_146 = arith.constant 0 : i32
      %dma_wait3A_147 = tpu.memref_slice %dma_wait3A_144[%dma_wait3A_145, %dma_wait3A_146] : memref<128x128xf32, #tpu.memory_space<vmem>> -> memref<128x128xf32, #tpu.memory_space<vmem>>
      tpu.wait_dma2 semaphore(%run_scoped3A_111 : memref<!tpu.dma_semaphore, #tpu.memory_space<semaphore_mem>>) src(%dma_wait3A_147 : memref<128x128xf32, #tpu.memory_space<vmem>>) dst(%dma_wait3A_140 : memref<128x128xf32, #tpu.memory_space<vmem_shared>>)
      tpu.yield
    }) : () -> ()
    %add3A_21 = arith.constant 384 : i32
    %add3A_22 = arith.addi %mul3A_0, %add3A_21 : i32
    %run_scoped3A_23 = arith.constant 0 : i32
    "tpu.region"() ({
      %run_scoped3A_111 = tpu.sem_alloc : memref<!tpu.dma_semaphore, #tpu.memory_space<semaphore_mem>>
      %dma_start3A_112 = arith.constant 0 : i32
      %dma_start3A_113 = arith.constant 0 : i32
      %dma_start3A_114 = tpu.memref_slice %arg10[%run_scoped3A_23, %dma_start3A_112, %dma_start3A_113] : memref<2x128x128xf32, #tpu.memory_space<vmem>> -> memref<1x128x128xf32, #tpu.memory_space<vmem>>
      %dma_start3A_115 = tpu.memref_squeeze %dma_start3A_114 : memref<1x128x128xf32, #tpu.memory_space<vmem>> -> memref<128x128xf32, #tpu.memory_space<vmem>>
      %dma_start3A_116 = arith.constant 0 : i32
      %dma_start3A_117 = arith.constant 0 : i32
      %dma_start3A_118 = tpu.memref_slice %dma_start3A_115[%dma_start3A_116, %dma_start3A_117] : memref<128x128xf32, #tpu.memory_space<vmem>> -> memref<128x128xf32, #tpu.memory_space<vmem>>
      %dma_start3A_119 = arith.constant 0 : i32
      %dma_start3A_120 = tpu.memref_slice %arg12[%add3A_22, %dma_start3A_119] : memref<10240x128xf32, #tpu.memory_space<vmem_shared>> -> memref<128x128xf32, #tpu.memory_space<vmem_shared>>
      %dma_start3A_121 = arith.constant 0 : i32
      %dma_start3A_122 = tpu.memref_slice %arg12[%add3A_22, %dma_start3A_121] : memref<10240x128xf32, #tpu.memory_space<vmem_shared>> -> memref<128x128xf32, #tpu.memory_space<vmem_shared>>
      %dma_start3A_123 = arith.constant 0 : i32
      %dma_start3A_124 = arith.constant 0 : i32
      %dma_start3A_125 = tpu.memref_slice %arg10[%run_scoped3A_23, %dma_start3A_123, %dma_start3A_124] : memref<2x128x128xf32, #tpu.memory_space<vmem>> -> memref<1x128x128xf32, #tpu.memory_space<vmem>>
      %dma_start3A_126 = tpu.memref_squeeze %dma_start3A_125 : memref<1x128x128xf32, #tpu.memory_space<vmem>> -> memref<128x128xf32, #tpu.memory_space<vmem>>
      %dma_start3A_127 = arith.constant 0 : i32
      %dma_start3A_128 = arith.constant 0 : i32
      %dma_start3A_129 = tpu.memref_slice %dma_start3A_126[%dma_start3A_127, %dma_start3A_128] : memref<128x128xf32, #tpu.memory_space<vmem>> -> memref<128x128xf32, #tpu.memory_space<vmem>>
      tpu.enqueue_dma source(%dma_start3A_129 : memref<128x128xf32, #tpu.memory_space<vmem>>) target(%dma_start3A_122 : memref<128x128xf32, #tpu.memory_space<vmem_shared>>) target_semaphore(%run_scoped3A_111 : memref<!tpu.dma_semaphore, #tpu.memory_space<semaphore_mem>>)
      %dma_wait3A_130 = arith.constant 0 : i32
      %dma_wait3A_131 = arith.constant 0 : i32
      %dma_wait3A_132 = tpu.memref_slice %arg10[%run_scoped3A_23, %dma_wait3A_130, %dma_wait3A_131] : memref<2x128x128xf32, #tpu.memory_space<vmem>> -> memref<1x128x128xf32, #tpu.memory_space<vmem>>
      %dma_wait3A_133 = tpu.memref_squeeze %dma_wait3A_132 : memref<1x128x128xf32, #tpu.memory_space<vmem>> -> memref<128x128xf32, #tpu.memory_space<vmem>>
      %dma_wait3A_134 = arith.constant 0 : i32
      %dma_wait3A_135 = arith.constant 0 : i32
      %dma_wait3A_136 = tpu.memref_slice %dma_wait3A_133[%dma_wait3A_134, %dma_wait3A_135] : memref<128x128xf32, #tpu.memory_space<vmem>> -> memref<128x128xf32, #tpu.memory_space<vmem>>
      %dma_wait3A_137 = arith.constant 0 : i32
      %dma_wait3A_138 = tpu.memref_slice %arg12[%add3A_22, %dma_wait3A_137] : memref<10240x128xf32, #tpu.memory_space<vmem_shared>> -> memref<128x128xf32, #tpu.memory_space<vmem_shared>>
      %dma_wait3A_139 = arith.constant 0 : i32
      %dma_wait3A_140 = tpu.memref_slice %arg12[%add3A_22, %dma_wait3A_139] : memref<10240x128xf32, #tpu.memory_space<vmem_shared>> -> memref<128x128xf32, #tpu.memory_space<vmem_shared>>
      %dma_wait3A_141 = arith.constant 0 : i32
      %dma_wait3A_142 = arith.constant 0 : i32
      %dma_wait3A_143 = tpu.memref_slice %arg10[%run_scoped3A_23, %dma_wait3A_141, %dma_wait3A_142] : memref<2x128x128xf32, #tpu.memory_space<vmem>> -> memref<1x128x128xf32, #tpu.memory_space<vmem>>
      %dma_wait3A_144 = tpu.memref_squeeze %dma_wait3A_143 : memref<1x128x128xf32, #tpu.memory_space<vmem>> -> memref<128x128xf32, #tpu.memory_space<vmem>>
      %dma_wait3A_145 = arith.constant 0 : i32
      %dma_wait3A_146 = arith.constant 0 : i32
      %dma_wait3A_147 = tpu.memref_slice %dma_wait3A_144[%dma_wait3A_145, %dma_wait3A_146] : memref<128x128xf32, #tpu.memory_space<vmem>> -> memref<128x128xf32, #tpu.memory_space<vmem>>
      tpu.wait_dma2 semaphore(%run_scoped3A_111 : memref<!tpu.dma_semaphore, #tpu.memory_space<semaphore_mem>>) src(%dma_wait3A_147 : memref<128x128xf32, #tpu.memory_space<vmem>>) dst(%dma_wait3A_140 : memref<128x128xf32, #tpu.memory_space<vmem_shared>>)
      tpu.yield
    }) : () -> ()
    %add3A_24 = arith.constant 512 : i32
    %add3A_25 = arith.addi %mul3A_0, %add3A_24 : i32
    %run_scoped3A_26 = arith.constant 0 : i32
    "tpu.region"() ({
      %run_scoped3A_111 = tpu.sem_alloc : memref<!tpu.dma_semaphore, #tpu.memory_space<semaphore_mem>>
      %dma_start3A_112 = arith.constant 0 : i32
      %dma_start3A_113 = arith.constant 0 : i32
      %dma_start3A_114 = tpu.memref_slice %arg10[%run_scoped3A_26, %dma_start3A_112, %dma_start3A_113] : memref<2x128x128xf32, #tpu.memory_space<vmem>> -> memref<1x128x128xf32, #tpu.memory_space<vmem>>
      %dma_start3A_115 = tpu.memref_squeeze %dma_start3A_114 : memref<1x128x128xf32, #tpu.memory_space<vmem>> -> memref<128x128xf32, #tpu.memory_space<vmem>>
      %dma_start3A_116 = arith.constant 0 : i32
      %dma_start3A_117 = arith.constant 0 : i32
      %dma_start3A_118 = tpu.memref_slice %dma_start3A_115[%dma_start3A_116, %dma_start3A_117] : memref<128x128xf32, #tpu.memory_space<vmem>> -> memref<128x128xf32, #tpu.memory_space<vmem>>
      %dma_start3A_119 = arith.constant 0 : i32
      %dma_start3A_120 = tpu.memref_slice %arg12[%add3A_25, %dma_start3A_119] : memref<10240x128xf32, #tpu.memory_space<vmem_shared>> -> memref<128x128xf32, #tpu.memory_space<vmem_shared>>
      %dma_start3A_121 = arith.constant 0 : i32
      %dma_start3A_122 = tpu.memref_slice %arg12[%add3A_25, %dma_start3A_121] : memref<10240x128xf32, #tpu.memory_space<vmem_shared>> -> memref<128x128xf32, #tpu.memory_space<vmem_shared>>
      %dma_start3A_123 = arith.constant 0 : i32
      %dma_start3A_124 = arith.constant 0 : i32
      %dma_start3A_125 = tpu.memref_slice %arg10[%run_scoped3A_26, %dma_start3A_123, %dma_start3A_124] : memref<2x128x128xf32, #tpu.memory_space<vmem>> -> memref<1x128x128xf32, #tpu.memory_space<vmem>>
      %dma_start3A_126 = tpu.memref_squeeze %dma_start3A_125 : memref<1x128x128xf32, #tpu.memory_space<vmem>> -> memref<128x128xf32, #tpu.memory_space<vmem>>
      %dma_start3A_127 = arith.constant 0 : i32
      %dma_start3A_128 = arith.constant 0 : i32
      %dma_start3A_129 = tpu.memref_slice %dma_start3A_126[%dma_start3A_127, %dma_start3A_128] : memref<128x128xf32, #tpu.memory_space<vmem>> -> memref<128x128xf32, #tpu.memory_space<vmem>>
      tpu.enqueue_dma source(%dma_start3A_129 : memref<128x128xf32, #tpu.memory_space<vmem>>) target(%dma_start3A_122 : memref<128x128xf32, #tpu.memory_space<vmem_shared>>) target_semaphore(%run_scoped3A_111 : memref<!tpu.dma_semaphore, #tpu.memory_space<semaphore_mem>>)
      %dma_wait3A_130 = arith.constant 0 : i32
      %dma_wait3A_131 = arith.constant 0 : i32
      %dma_wait3A_132 = tpu.memref_slice %arg10[%run_scoped3A_26, %dma_wait3A_130, %dma_wait3A_131] : memref<2x128x128xf32, #tpu.memory_space<vmem>> -> memref<1x128x128xf32, #tpu.memory_space<vmem>>
      %dma_wait3A_133 = tpu.memref_squeeze %dma_wait3A_132 : memref<1x128x128xf32, #tpu.memory_space<vmem>> -> memref<128x128xf32, #tpu.memory_space<vmem>>
      %dma_wait3A_134 = arith.constant 0 : i32
      %dma_wait3A_135 = arith.constant 0 : i32
      %dma_wait3A_136 = tpu.memref_slice %dma_wait3A_133[%dma_wait3A_134, %dma_wait3A_135] : memref<128x128xf32, #tpu.memory_space<vmem>> -> memref<128x128xf32, #tpu.memory_space<vmem>>
      %dma_wait3A_137 = arith.constant 0 : i32
      %dma_wait3A_138 = tpu.memref_slice %arg12[%add3A_25, %dma_wait3A_137] : memref<10240x128xf32, #tpu.memory_space<vmem_shared>> -> memref<128x128xf32, #tpu.memory_space<vmem_shared>>
      %dma_wait3A_139 = arith.constant 0 : i32
      %dma_wait3A_140 = tpu.memref_slice %arg12[%add3A_25, %dma_wait3A_139] : memref<10240x128xf32, #tpu.memory_space<vmem_shared>> -> memref<128x128xf32, #tpu.memory_space<vmem_shared>>
      %dma_wait3A_141 = arith.constant 0 : i32
      %dma_wait3A_142 = arith.constant 0 : i32
      %dma_wait3A_143 = tpu.memref_slice %arg10[%run_scoped3A_26, %dma_wait3A_141, %dma_wait3A_142] : memref<2x128x128xf32, #tpu.memory_space<vmem>> -> memref<1x128x128xf32, #tpu.memory_space<vmem>>
      %dma_wait3A_144 = tpu.memref_squeeze %dma_wait3A_143 : memref<1x128x128xf32, #tpu.memory_space<vmem>> -> memref<128x128xf32, #tpu.memory_space<vmem>>
      %dma_wait3A_145 = arith.constant 0 : i32
      %dma_wait3A_146 = arith.constant 0 : i32
      %dma_wait3A_147 = tpu.memref_slice %dma_wait3A_144[%dma_wait3A_145, %dma_wait3A_146] : memref<128x128xf32, #tpu.memory_space<vmem>> -> memref<128x128xf32, #tpu.memory_space<vmem>>
      tpu.wait_dma2 semaphore(%run_scoped3A_111 : memref<!tpu.dma_semaphore, #tpu.memory_space<semaphore_mem>>) src(%dma_wait3A_147 : memref<128x128xf32, #tpu.memory_space<vmem>>) dst(%dma_wait3A_140 : memref<128x128xf32, #tpu.memory_space<vmem_shared>>)
      tpu.yield
    }) : () -> ()
    %barrier3A = arith.constant 0 : index
    tpu.barrier barrier_id(%barrier3A)
    "tpu.region"() ({
      %run_scoped3A_111 = tpu.sem_alloc : memref<!tpu.dma_semaphore, #tpu.memory_space<semaphore_mem>>
      %dma_start3A_112 = arith.constant 0 : i32
      %dma_start3A_113 = arith.constant 0 : i32
      %dma_start3A_114 = arith.constant 0 : i32
      %dma_start3A_115 = tpu.memref_slice %arg3[%arg0, %dma_start3A_112, %dma_start3A_113, %dma_start3A_114] : memref<2x16x80x128xi32, #tpu.memory_space<hbm>> -> memref<1x16x80x128xi32, #tpu.memory_space<hbm>>
      %dma_start3A_116 = tpu.memref_squeeze %dma_start3A_115 : memref<1x16x80x128xi32, #tpu.memory_space<hbm>> -> memref<16x80x128xi32, #tpu.memory_space<hbm>>
      %dma_start3A_117 = arith.constant 0 : i32
      %dma_start3A_118 = arith.constant 0 : i32
      %dma_start3A_119 = tpu.memref_slice %dma_start3A_116[%arg1, %dma_start3A_117, %dma_start3A_118] : memref<16x80x128xi32, #tpu.memory_space<hbm>> -> memref<1x80x128xi32, #tpu.memory_space<hbm>>
      %dma_start3A_120 = tpu.memref_squeeze %dma_start3A_119 : memref<1x80x128xi32, #tpu.memory_space<hbm>> -> memref<80x128xi32, #tpu.memory_space<hbm>>
      %dma_start3A_121 = arith.constant 0 : i32
      %dma_start3A_122 = arith.constant 0 : i32
      %dma_start3A_123 = tpu.memref_slice %dma_start3A_120[%dma_start3A_121, %dma_start3A_122] : memref<80x128xi32, #tpu.memory_space<hbm>> -> memref<4x128xi32, #tpu.memory_space<hbm>>
      %dma_start3A_124 = arith.constant 0 : i32
      %dma_start3A_125 = arith.constant 0 : i32
      %dma_start3A_126 = arith.constant 0 : i32
      %dma_start3A_127 = tpu.memref_slice %arg3[%arg0, %dma_start3A_124, %dma_start3A_125, %dma_start3A_126] : memref<2x16x80x128xi32, #tpu.memory_space<hbm>> -> memref<1x16x80x128xi32, #tpu.memory_space<hbm>>
      %dma_start3A_128 = tpu.memref_squeeze %dma_start3A_127 : memref<1x16x80x128xi32, #tpu.memory_space<hbm>> -> memref<16x80x128xi32, #tpu.memory_space<hbm>>
      %dma_start3A_129 = arith.constant 0 : i32
      %dma_start3A_130 = arith.constant 0 : i32
      %dma_start3A_131 = tpu.memref_slice %dma_start3A_128[%arg1, %dma_start3A_129, %dma_start3A_130] : memref<16x80x128xi32, #tpu.memory_space<hbm>> -> memref<1x80x128xi32, #tpu.memory_space<hbm>>
      %dma_start3A_132 = tpu.memref_squeeze %dma_start3A_131 : memref<1x80x128xi32, #tpu.memory_space<hbm>> -> memref<80x128xi32, #tpu.memory_space<hbm>>
      %dma_start3A_133 = arith.constant 0 : i32
      %dma_start3A_134 = arith.constant 0 : i32
      %dma_start3A_135 = tpu.memref_slice %dma_start3A_132[%dma_start3A_133, %dma_start3A_134] : memref<80x128xi32, #tpu.memory_space<hbm>> -> memref<4x128xi32, #tpu.memory_space<hbm>>
      tpu.enqueue_dma source(%dma_start3A_135 : memref<4x128xi32, #tpu.memory_space<hbm>>) target(%arg8 : memref<4x128xi32, #tpu.memory_space<vmem>>) target_semaphore(%run_scoped3A_111 : memref<!tpu.dma_semaphore, #tpu.memory_space<semaphore_mem>>)
      %dma_wait3A_136 = arith.constant 0 : i32
      %dma_wait3A_137 = arith.constant 0 : i32
      %dma_wait3A_138 = arith.constant 0 : i32
      %dma_wait3A_139 = tpu.memref_slice %arg3[%arg0, %dma_wait3A_136, %dma_wait3A_137, %dma_wait3A_138] : memref<2x16x80x128xi32, #tpu.memory_space<hbm>> -> memref<1x16x80x128xi32, #tpu.memory_space<hbm>>
      %dma_wait3A_140 = tpu.memref_squeeze %dma_wait3A_139 : memref<1x16x80x128xi32, #tpu.memory_space<hbm>> -> memref<16x80x128xi32, #tpu.memory_space<hbm>>
      %dma_wait3A_141 = arith.constant 0 : i32
      %dma_wait3A_142 = arith.constant 0 : i32
      %dma_wait3A_143 = tpu.memref_slice %dma_wait3A_140[%arg1, %dma_wait3A_141, %dma_wait3A_142] : memref<16x80x128xi32, #tpu.memory_space<hbm>> -> memref<1x80x128xi32, #tpu.memory_space<hbm>>
      %dma_wait3A_144 = tpu.memref_squeeze %dma_wait3A_143 : memref<1x80x128xi32, #tpu.memory_space<hbm>> -> memref<80x128xi32, #tpu.memory_space<hbm>>
      %dma_wait3A_145 = arith.constant 0 : i32
      %dma_wait3A_146 = arith.constant 0 : i32
      %dma_wait3A_147 = tpu.memref_slice %dma_wait3A_144[%dma_wait3A_145, %dma_wait3A_146] : memref<80x128xi32, #tpu.memory_space<hbm>> -> memref<4x128xi32, #tpu.memory_space<hbm>>
      %dma_wait3A_148 = arith.constant 0 : i32
      %dma_wait3A_149 = arith.constant 0 : i32
      %dma_wait3A_150 = arith.constant 0 : i32
      %dma_wait3A_151 = tpu.memref_slice %arg3[%arg0, %dma_wait3A_148, %dma_wait3A_149, %dma_wait3A_150] : memref<2x16x80x128xi32, #tpu.memory_space<hbm>> -> memref<1x16x80x128xi32, #tpu.memory_space<hbm>>
      %dma_wait3A_152 = tpu.memref_squeeze %dma_wait3A_151 : memref<1x16x80x128xi32, #tpu.memory_space<hbm>> -> memref<16x80x128xi32, #tpu.memory_space<hbm>>
      %dma_wait3A_153 = arith.constant 0 : i32
      %dma_wait3A_154 = arith.constant 0 : i32
      %dma_wait3A_155 = tpu.memref_slice %dma_wait3A_152[%arg1, %dma_wait3A_153, %dma_wait3A_154] : memref<16x80x128xi32, #tpu.memory_space<hbm>> -> memref<1x80x128xi32, #tpu.memory_space<hbm>>
      %dma_wait3A_156 = tpu.memref_squeeze %dma_wait3A_155 : memref<1x80x128xi32, #tpu.memory_space<hbm>> -> memref<80x128xi32, #tpu.memory_space<hbm>>
      %dma_wait3A_157 = arith.constant 0 : i32
      %dma_wait3A_158 = arith.constant 0 : i32
      %dma_wait3A_159 = tpu.memref_slice %dma_wait3A_156[%dma_wait3A_157, %dma_wait3A_158] : memref<80x128xi32, #tpu.memory_space<hbm>> -> memref<4x128xi32, #tpu.memory_space<hbm>>
      tpu.wait_dma2 semaphore(%run_scoped3A_111 : memref<!tpu.dma_semaphore, #tpu.memory_space<semaphore_mem>>) src(%dma_wait3A_159 : memref<4x128xi32, #tpu.memory_space<hbm>>) dst(%arg8 : memref<4x128xi32, #tpu.memory_space<vmem>>)
      tpu.yield
    }) : () -> ()
    %run_scoped3A_27 = arith.constant 0 : i32
    "tpu.region"() ({
      %run_scoped3A_111 = tpu.sem_alloc : memref<!tpu.dma_semaphore, #tpu.memory_space<semaphore_mem>>
      %dma_start3A_112 = arith.constant 0 : i32
      %dma_start3A_113 = arith.constant 0 : i32
      %dma_start3A_114 = tpu.memref_slice %arg9[%run_scoped3A_27, %dma_start3A_112, %dma_start3A_113] : memref<2x4x128xi32, #tpu.memory_space<vmem>> -> memref<1x4x128xi32, #tpu.memory_space<vmem>>
      %dma_start3A_115 = tpu.memref_squeeze %dma_start3A_114 : memref<1x4x128xi32, #tpu.memory_space<vmem>> -> memref<4x128xi32, #tpu.memory_space<vmem>>
      %dma_start3A_116 = arith.constant 0 : i32
      %dma_start3A_117 = arith.constant 0 : i32
      %dma_start3A_118 = tpu.memref_slice %arg4[%arg1, %dma_start3A_116, %dma_start3A_117] : memref<16x80x128xi32, #tpu.memory_space<hbm>> -> memref<1x80x128xi32, #tpu.memory_space<hbm>>
      %dma_start3A_119 = tpu.memref_squeeze %dma_start3A_118 : memref<1x80x128xi32, #tpu.memory_space<hbm>> -> memref<80x128xi32, #tpu.memory_space<hbm>>
      %dma_start3A_120 = arith.constant 0 : i32
      %dma_start3A_121 = arith.constant 0 : i32
      %dma_start3A_122 = tpu.memref_slice %dma_start3A_119[%dma_start3A_120, %dma_start3A_121] : memref<80x128xi32, #tpu.memory_space<hbm>> -> memref<4x128xi32, #tpu.memory_space<hbm>>
      %dma_start3A_123 = arith.constant 0 : i32
      %dma_start3A_124 = arith.constant 0 : i32
      %dma_start3A_125 = tpu.memref_slice %arg9[%run_scoped3A_27, %dma_start3A_123, %dma_start3A_124] : memref<2x4x128xi32, #tpu.memory_space<vmem>> -> memref<1x4x128xi32, #tpu.memory_space<vmem>>
      %dma_start3A_126 = tpu.memref_squeeze %dma_start3A_125 : memref<1x4x128xi32, #tpu.memory_space<vmem>> -> memref<4x128xi32, #tpu.memory_space<vmem>>
      %dma_start3A_127 = arith.constant 0 : i32
      %dma_start3A_128 = arith.constant 0 : i32
      %dma_start3A_129 = tpu.memref_slice %arg4[%arg1, %dma_start3A_127, %dma_start3A_128] : memref<16x80x128xi32, #tpu.memory_space<hbm>> -> memref<1x80x128xi32, #tpu.memory_space<hbm>>
      %dma_start3A_130 = tpu.memref_squeeze %dma_start3A_129 : memref<1x80x128xi32, #tpu.memory_space<hbm>> -> memref<80x128xi32, #tpu.memory_space<hbm>>
      %dma_start3A_131 = arith.constant 0 : i32
      %dma_start3A_132 = arith.constant 0 : i32
      %dma_start3A_133 = tpu.memref_slice %dma_start3A_130[%dma_start3A_131, %dma_start3A_132] : memref<80x128xi32, #tpu.memory_space<hbm>> -> memref<4x128xi32, #tpu.memory_space<hbm>>
      tpu.enqueue_dma source(%dma_start3A_133 : memref<4x128xi32, #tpu.memory_space<hbm>>) target(%dma_start3A_126 : memref<4x128xi32, #tpu.memory_space<vmem>>) target_semaphore(%run_scoped3A_111 : memref<!tpu.dma_semaphore, #tpu.memory_space<semaphore_mem>>)
      %dma_wait3A_134 = arith.constant 0 : i32
      %dma_wait3A_135 = arith.constant 0 : i32
      %dma_wait3A_136 = tpu.memref_slice %arg9[%run_scoped3A_27, %dma_wait3A_134, %dma_wait3A_135] : memref<2x4x128xi32, #tpu.memory_space<vmem>> -> memref<1x4x128xi32, #tpu.memory_space<vmem>>
      %dma_wait3A_137 = tpu.memref_squeeze %dma_wait3A_136 : memref<1x4x128xi32, #tpu.memory_space<vmem>> -> memref<4x128xi32, #tpu.memory_space<vmem>>
      %dma_wait3A_138 = arith.constant 0 : i32
      %dma_wait3A_139 = arith.constant 0 : i32
      %dma_wait3A_140 = tpu.memref_slice %arg4[%arg1, %dma_wait3A_138, %dma_wait3A_139] : memref<16x80x128xi32, #tpu.memory_space<hbm>> -> memref<1x80x128xi32, #tpu.memory_space<hbm>>
      %dma_wait3A_141 = tpu.memref_squeeze %dma_wait3A_140 : memref<1x80x128xi32, #tpu.memory_space<hbm>> -> memref<80x128xi32, #tpu.memory_space<hbm>>
      %dma_wait3A_142 = arith.constant 0 : i32
      %dma_wait3A_143 = arith.constant 0 : i32
      %dma_wait3A_144 = tpu.memref_slice %dma_wait3A_141[%dma_wait3A_142, %dma_wait3A_143] : memref<80x128xi32, #tpu.memory_space<hbm>> -> memref<4x128xi32, #tpu.memory_space<hbm>>
      %dma_wait3A_145 = arith.constant 0 : i32
      %dma_wait3A_146 = arith.constant 0 : i32
      %dma_wait3A_147 = tpu.memref_slice %arg9[%run_scoped3A_27, %dma_wait3A_145, %dma_wait3A_146] : memref<2x4x128xi32, #tpu.memory_space<vmem>> -> memref<1x4x128xi32, #tpu.memory_space<vmem>>
      %dma_wait3A_148 = tpu.memref_squeeze %dma_wait3A_147 : memref<1x4x128xi32, #tpu.memory_space<vmem>> -> memref<4x128xi32, #tpu.memory_space<vmem>>
      %dma_wait3A_149 = arith.constant 0 : i32
      %dma_wait3A_150 = arith.constant 0 : i32
      %dma_wait3A_151 = tpu.memref_slice %arg4[%arg1, %dma_wait3A_149, %dma_wait3A_150] : memref<16x80x128xi32, #tpu.memory_space<hbm>> -> memref<1x80x128xi32, #tpu.memory_space<hbm>>
      %dma_wait3A_152 = tpu.memref_squeeze %dma_wait3A_151 : memref<1x80x128xi32, #tpu.memory_space<hbm>> -> memref<80x128xi32, #tpu.memory_space<hbm>>
      %dma_wait3A_153 = arith.constant 0 : i32
      %dma_wait3A_154 = arith.constant 0 : i32
      %dma_wait3A_155 = tpu.memref_slice %dma_wait3A_152[%dma_wait3A_153, %dma_wait3A_154] : memref<80x128xi32, #tpu.memory_space<hbm>> -> memref<4x128xi32, #tpu.memory_space<hbm>>
      tpu.wait_dma2 semaphore(%run_scoped3A_111 : memref<!tpu.dma_semaphore, #tpu.memory_space<semaphore_mem>>) src(%dma_wait3A_155 : memref<4x128xi32, #tpu.memory_space<hbm>>) dst(%dma_wait3A_148 : memref<4x128xi32, #tpu.memory_space<vmem>>)
      tpu.yield
    }) : () -> ()
    %dma_start3A = arith.constant 0 : i32
    %dma_start3A_28 = arith.constant 0 : i32
    %dma_start3A_29 = arith.constant 0 : i32
    %dma_start3A_30 = arith.constant 0 : i32
    %dma_start3A_31 = tpu.memref_slice %arg10[%dma_start3A_28, %dma_start3A_29, %dma_start3A_30] : memref<2x128x128xf32, #tpu.memory_space<vmem>> -> memref<1x128x128xf32, #tpu.memory_space<vmem>>
    %dma_start3A_32 = tpu.memref_squeeze %dma_start3A_31 : memref<1x128x128xf32, #tpu.memory_space<vmem>> -> memref<128x128xf32, #tpu.memory_space<vmem>>
    %dma_start3A_33 = arith.constant 0 : i32
    %dma_start3A_34 = tpu.memref_slice %arg8[%dma_start3A, %dma_start3A_33] : memref<4x128xi32, #tpu.memory_space<vmem>> -> memref<1x128xi32, #tpu.memory_space<vmem>>
    %dma_start3A_35 = tpu.memref_squeeze %dma_start3A_34 : memref<1x128xi32, #tpu.memory_space<vmem>> -> memref<128xi32, #tpu.memory_space<vmem>>
    %dma_start3A_36 = arith.constant 0 : i32
    %dma_start3A_37 = arith.constant 0 : i32
    %dma_start3A_38 = tpu.memref_slice %arg2[%dma_start3A_36, %dma_start3A_37] : memref<20000x128xf32, #tpu.memory_space<hbm>> -> memref<20000x128xf32, #tpu.memory_space<hbm>>
    tpu.enqueue_indirect_dma source(%dma_start3A_38 : memref<20000x128xf32, #tpu.memory_space<hbm>>) target(%dma_start3A_32 : memref<128x128xf32, #tpu.memory_space<vmem>>) offsets(%dma_start3A_35 : memref<128xi32, #tpu.memory_space<vmem>>) semaphore(%arg13 : memref<!tpu.dma_semaphore, #tpu.memory_space<semaphore_mem>>)
    %scan3A_39 = arith.constant 0 : i32
    %scan3A_40 = arith.constant 20 : i32
    %scan3A_41 = arith.addi %scan3A_39, %scan3A_40 : i32
    %scan3A_42 = arith.constant 1 : i32
    scf.for %scan3A_111 = %scan3A_39 to %scan3A_41 step %scan3A_42  : i32 {
      %mul3A_112 = arith.constant 1 : i32
      %mul3A_113 = arith.muli %scan3A_111, %mul3A_112 : i32
      %add3A_114 = arith.constant 0 : i32
      %add3A_115 = arith.addi %add3A_114, %mul3A_113 : i32
      %jit3A = arith.constant 2 : i32
      %eq3A = arith.constant 0 : i32
      %eq3A_116 = arith.cmpi eq, %jit3A, %eq3A : i32
      %jit3A_117 = arith.constant 1 : i32
      %select_n3A = arith.select %eq3A_116, %jit3A_117, %jit3A : i32
      %rem3A = arith.remsi %add3A_115, %select_n3A : i32
      %ne3A = arith.constant 0 : i32
      %ne3A_118 = arith.cmpi ne, %rem3A, %ne3A : i32
      %lt3A = arith.constant 0 : i32
      %lt3A_119 = arith.cmpi slt, %rem3A, %lt3A : i32
      %lt3A_120 = arith.constant 0 : i32
      %lt3A_121 = arith.cmpi slt, %select_n3A, %lt3A_120 : i32
      %ne3A_122 = arith.xori %lt3A_119, %lt3A_121 : i1
      %and3A = arith.andi %ne3A_122, %ne3A_118 : i1
      %add3A_123 = arith.addi %rem3A, %select_n3A : i32
      %select_n3A_124 = arith.select %and3A, %add3A_123, %rem3A : i32
      %gt3A = arith.constant 0 : i32
      %gt3A_125 = arith.cmpi sgt, %add3A_115, %gt3A : i32
      %convert_element_type3A = arith.extui %gt3A_125 : i1 to i32
      %cond3A = arith.constant 0 : i32
      %cond3A_126 = arith.cmpi ne, %convert_element_type3A, %cond3A : i32
      scf.if %cond3A_126 {
        %sub3A = arith.constant 1 : i32
        %sub3A_473 = arith.subi %sub3A, %select_n3A_124 : i32
        %dma_wait3A_474 = arith.constant 1 : i32
        %dma_wait3A_475 = arith.constant 0 : i32
        %dma_wait3A_476 = arith.constant 0 : i32
        %dma_wait3A_477 = arith.constant 0 : i32
        %dma_wait3A_478 = tpu.memref_slice %arg10[%dma_wait3A_474, %dma_wait3A_476, %dma_wait3A_477] : memref<2x128x128xf32, #tpu.memory_space<vmem>> -> memref<1x128x128xf32, #tpu.memory_space<vmem>>
        %dma_wait3A_479 = tpu.memref_squeeze %dma_wait3A_478 : memref<1x128x128xf32, #tpu.memory_space<vmem>> -> memref<128x128xf32, #tpu.memory_space<vmem>>
        %dma_wait3A_480 = arith.constant 0 : i32
        %dma_wait3A_481 = arith.constant 0 : i32
        %dma_wait3A_482 = tpu.memref_slice %arg9[%sub3A_473, %dma_wait3A_480, %dma_wait3A_481] : memref<2x4x128xi32, #tpu.memory_space<vmem>> -> memref<1x4x128xi32, #tpu.memory_space<vmem>>
        %dma_wait3A_483 = tpu.memref_squeeze %dma_wait3A_482 : memref<1x4x128xi32, #tpu.memory_space<vmem>> -> memref<4x128xi32, #tpu.memory_space<vmem>>
        %dma_wait3A_484 = arith.constant 0 : i32
        %dma_wait3A_485 = tpu.memref_slice %dma_wait3A_483[%dma_wait3A_475, %dma_wait3A_484] : memref<4x128xi32, #tpu.memory_space<vmem>> -> memref<1x128xi32, #tpu.memory_space<vmem>>
        %dma_wait3A_486 = tpu.memref_squeeze %dma_wait3A_485 : memref<1x128xi32, #tpu.memory_space<vmem>> -> memref<128xi32, #tpu.memory_space<vmem>>
        %dma_wait3A_487 = arith.constant 0 : i32
        %dma_wait3A_488 = arith.constant 0 : i32
        %dma_wait3A_489 = tpu.memref_slice %arg12[%dma_wait3A_487, %dma_wait3A_488] : memref<10240x128xf32, #tpu.memory_space<vmem_shared>> -> memref<10240x128xf32, #tpu.memory_space<vmem_shared>>
        tpu.wait_indirect_dma semaphore(%arg16 : memref<!tpu.dma_semaphore, #tpu.memory_space<semaphore_mem>>) src(%dma_wait3A_479 : memref<128x128xf32, #tpu.memory_space<vmem>>) dst(%dma_wait3A_489 : memref<10240x128xf32, #tpu.memory_space<vmem_shared>>)
      } else {
      }
      %dma_start3A_127 = arith.constant 1 : i32
      %dma_start3A_128 = arith.constant 1 : i32
      %dma_start3A_129 = arith.constant 0 : i32
      %dma_start3A_130 = arith.constant 0 : i32
      %dma_start3A_131 = tpu.memref_slice %arg10[%dma_start3A_128, %dma_start3A_129, %dma_start3A_130] : memref<2x128x128xf32, #tpu.memory_space<vmem>> -> memref<1x128x128xf32, #tpu.memory_space<vmem>>
      %dma_start3A_132 = tpu.memref_squeeze %dma_start3A_131 : memref<1x128x128xf32, #tpu.memory_space<vmem>> -> memref<128x128xf32, #tpu.memory_space<vmem>>
      %dma_start3A_133 = arith.constant 0 : i32
      %dma_start3A_134 = tpu.memref_slice %arg8[%dma_start3A_127, %dma_start3A_133] : memref<4x128xi32, #tpu.memory_space<vmem>> -> memref<1x128xi32, #tpu.memory_space<vmem>>
      %dma_start3A_135 = tpu.memref_squeeze %dma_start3A_134 : memref<1x128xi32, #tpu.memory_space<vmem>> -> memref<128xi32, #tpu.memory_space<vmem>>
      %dma_start3A_136 = arith.constant 0 : i32
      %dma_start3A_137 = arith.constant 0 : i32
      %dma_start3A_138 = tpu.memref_slice %arg2[%dma_start3A_136, %dma_start3A_137] : memref<20000x128xf32, #tpu.memory_space<hbm>> -> memref<20000x128xf32, #tpu.memory_space<hbm>>
      tpu.enqueue_indirect_dma source(%dma_start3A_138 : memref<20000x128xf32, #tpu.memory_space<hbm>>) target(%dma_start3A_132 : memref<128x128xf32, #tpu.memory_space<vmem>>) offsets(%dma_start3A_135 : memref<128xi32, #tpu.memory_space<vmem>>) semaphore(%arg14 : memref<!tpu.dma_semaphore, #tpu.memory_space<semaphore_mem>>)
      %dma_wait3A_139 = arith.constant 0 : i32
      %dma_wait3A_140 = arith.constant 0 : i32
      %dma_wait3A_141 = arith.constant 0 : i32
      %dma_wait3A_142 = arith.constant 0 : i32
      %dma_wait3A_143 = tpu.memref_slice %arg10[%dma_wait3A_140, %dma_wait3A_141, %dma_wait3A_142] : memref<2x128x128xf32, #tpu.memory_space<vmem>> -> memref<1x128x128xf32, #tpu.memory_space<vmem>>
      %dma_wait3A_144 = tpu.memref_squeeze %dma_wait3A_143 : memref<1x128x128xf32, #tpu.memory_space<vmem>> -> memref<128x128xf32, #tpu.memory_space<vmem>>
      %dma_wait3A_145 = arith.constant 0 : i32
      %dma_wait3A_146 = tpu.memref_slice %arg8[%dma_wait3A_139, %dma_wait3A_145] : memref<4x128xi32, #tpu.memory_space<vmem>> -> memref<1x128xi32, #tpu.memory_space<vmem>>
      %dma_wait3A_147 = tpu.memref_squeeze %dma_wait3A_146 : memref<1x128xi32, #tpu.memory_space<vmem>> -> memref<128xi32, #tpu.memory_space<vmem>>
      %dma_wait3A_148 = arith.constant 0 : i32
      %dma_wait3A_149 = arith.constant 0 : i32
      %dma_wait3A_150 = tpu.memref_slice %arg2[%dma_wait3A_148, %dma_wait3A_149] : memref<20000x128xf32, #tpu.memory_space<hbm>> -> memref<20000x128xf32, #tpu.memory_space<hbm>>
      tpu.wait_indirect_dma semaphore(%arg13 : memref<!tpu.dma_semaphore, #tpu.memory_space<semaphore_mem>>) src(%dma_wait3A_150 : memref<20000x128xf32, #tpu.memory_space<hbm>>) dst(%dma_wait3A_144 : memref<128x128xf32, #tpu.memory_space<vmem>>)
      %dma_start3A_151 = arith.constant 0 : i32
      %dma_start3A_152 = arith.constant 0 : i32
      %dma_start3A_153 = arith.constant 0 : i32
      %dma_start3A_154 = arith.constant 0 : i32
      %dma_start3A_155 = tpu.memref_slice %arg10[%dma_start3A_151, %dma_start3A_153, %dma_start3A_154] : memref<2x128x128xf32, #tpu.memory_space<vmem>> -> memref<1x128x128xf32, #tpu.memory_space<vmem>>
      %dma_start3A_156 = tpu.memref_squeeze %dma_start3A_155 : memref<1x128x128xf32, #tpu.memory_space<vmem>> -> memref<128x128xf32, #tpu.memory_space<vmem>>
      %dma_start3A_157 = arith.constant 0 : i32
      %dma_start3A_158 = arith.constant 0 : i32
      %dma_start3A_159 = tpu.memref_slice %arg9[%select_n3A_124, %dma_start3A_157, %dma_start3A_158] : memref<2x4x128xi32, #tpu.memory_space<vmem>> -> memref<1x4x128xi32, #tpu.memory_space<vmem>>
      %dma_start3A_160 = tpu.memref_squeeze %dma_start3A_159 : memref<1x4x128xi32, #tpu.memory_space<vmem>> -> memref<4x128xi32, #tpu.memory_space<vmem>>
      %dma_start3A_161 = arith.constant 0 : i32
      %dma_start3A_162 = tpu.memref_slice %dma_start3A_160[%dma_start3A_152, %dma_start3A_161] : memref<4x128xi32, #tpu.memory_space<vmem>> -> memref<1x128xi32, #tpu.memory_space<vmem>>
      %dma_start3A_163 = tpu.memref_squeeze %dma_start3A_162 : memref<1x128xi32, #tpu.memory_space<vmem>> -> memref<128xi32, #tpu.memory_space<vmem>>
      %dma_start3A_164 = arith.constant 0 : i32
      %dma_start3A_165 = arith.constant 0 : i32
      %dma_start3A_166 = tpu.memref_slice %arg12[%dma_start3A_164, %dma_start3A_165] : memref<10240x128xf32, #tpu.memory_space<vmem_shared>> -> memref<10240x128xf32, #tpu.memory_space<vmem_shared>>
      tpu.enqueue_indirect_dma source(%dma_start3A_156 : memref<128x128xf32, #tpu.memory_space<vmem>>) target(%dma_start3A_166 : memref<10240x128xf32, #tpu.memory_space<vmem_shared>>) offsets(%dma_start3A_163 : memref<128xi32, #tpu.memory_space<vmem>>) semaphore(%arg15 : memref<!tpu.dma_semaphore, #tpu.memory_space<semaphore_mem>>) {add = true}
      %get3A = arith.constant 0 : i32
      %get3A_167 = arith.index_cast %select_n3A_124 : i32 to index
      %get3A_168 = arith.index_cast %get3A : i32 to index
      %get3A_169 = arith.constant 0 : index
      %get3A_170 = tpu.vector_load %arg9[%get3A_167, %get3A_168, %get3A_169] {strides = array<i32>} : memref<2x4x128xi32, #tpu.memory_space<vmem>>, vector<16xi32>,
      tpu.vector_store_idx %arg11[%get3A_170], %broadcast_in_dim3A_5 {add = true} : memref<10240xf32, #tpu.memory_space<vmem>>[vector<16xi32>], vector<16xf32>,
      %get3A_171 = arith.constant 0 : i32
      %get3A_172 = arith.index_cast %select_n3A_124 : i32 to index
      %get3A_173 = arith.index_cast %get3A_171 : i32 to index
      %get3A_174 = arith.constant 16 : index
      %get3A_175 = tpu.vector_load %arg9[%get3A_172, %get3A_173, %get3A_174] {strides = array<i32>} : memref<2x4x128xi32, #tpu.memory_space<vmem>>, vector<16xi32>,
      tpu.vector_store_idx %arg11[%get3A_175], %broadcast_in_dim3A_5 {add = true} : memref<10240xf32, #tpu.memory_space<vmem>>[vector<16xi32>], vector<16xf32>,
      %get3A_176 = arith.constant 0 : i32
      %get3A_177 = arith.index_cast %select_n3A_124 : i32 to index
      %get3A_178 = arith.index_cast %get3A_176 : i32 to index
      %get3A_179 = arith.constant 32 : index
      %get3A_180 = tpu.vector_load %arg9[%get3A_177, %get3A_178, %get3A_179] {strides = array<i32>} : memref<2x4x128xi32, #tpu.memory_space<vmem>>, vector<16xi32>,
      tpu.vector_store_idx %arg11[%get3A_180], %broadcast_in_dim3A_5 {add = true} : memref<10240xf32, #tpu.memory_space<vmem>>[vector<16xi32>], vector<16xf32>,
      %get3A_181 = arith.constant 0 : i32
      %get3A_182 = arith.index_cast %select_n3A_124 : i32 to index
      %get3A_183 = arith.index_cast %get3A_181 : i32 to index
      %get3A_184 = arith.constant 48 : index
      %get3A_185 = tpu.vector_load %arg9[%get3A_182, %get3A_183, %get3A_184] {strides = array<i32>} : memref<2x4x128xi32, #tpu.memory_space<vmem>>, vector<16xi32>,
      tpu.vector_store_idx %arg11[%get3A_185], %broadcast_in_dim3A_5 {add = true} : memref<10240xf32, #tpu.memory_space<vmem>>[vector<16xi32>], vector<16xf32>,
      %get3A_186 = arith.constant 0 : i32
      %get3A_187 = arith.index_cast %select_n3A_124 : i32 to index
      %get3A_188 = arith.index_cast %get3A_186 : i32 to index
      %get3A_189 = arith.constant 64 : index
      %get3A_190 = tpu.vector_load %arg9[%get3A_187, %get3A_188, %get3A_189] {strides = array<i32>} : memref<2x4x128xi32, #tpu.memory_space<vmem>>, vector<16xi32>,
      tpu.vector_store_idx %arg11[%get3A_190], %broadcast_in_dim3A_5 {add = true} : memref<10240xf32, #tpu.memory_space<vmem>>[vector<16xi32>], vector<16xf32>,
      %get3A_191 = arith.constant 0 : i32
      %get3A_192 = arith.index_cast %select_n3A_124 : i32 to index
      %get3A_193 = arith.index_cast %get3A_191 : i32 to index
      %get3A_194 = arith.constant 80 : index
      %get3A_195 = tpu.vector_load %arg9[%get3A_192, %get3A_193, %get3A_194] {strides = array<i32>} : memref<2x4x128xi32, #tpu.memory_space<vmem>>, vector<16xi32>,
      tpu.vector_store_idx %arg11[%get3A_195], %broadcast_in_dim3A_5 {add = true} : memref<10240xf32, #tpu.memory_space<vmem>>[vector<16xi32>], vector<16xf32>,
      %get3A_196 = arith.constant 0 : i32
      %get3A_197 = arith.index_cast %select_n3A_124 : i32 to index
      %get3A_198 = arith.index_cast %get3A_196 : i32 to index
      %get3A_199 = arith.constant 96 : index
      %get3A_200 = tpu.vector_load %arg9[%get3A_197, %get3A_198, %get3A_199] {strides = array<i32>} : memref<2x4x128xi32, #tpu.memory_space<vmem>>, vector<16xi32>,
      tpu.vector_store_idx %arg11[%get3A_200], %broadcast_in_dim3A_5 {add = true} : memref<10240xf32, #tpu.memory_space<vmem>>[vector<16xi32>], vector<16xf32>,
      %get3A_201 = arith.constant 0 : i32
      %get3A_202 = arith.index_cast %select_n3A_124 : i32 to index
      %get3A_203 = arith.index_cast %get3A_201 : i32 to index
      %get3A_204 = arith.constant 112 : index
      %get3A_205 = tpu.vector_load %arg9[%get3A_202, %get3A_203, %get3A_204] {strides = array<i32>} : memref<2x4x128xi32, #tpu.memory_space<vmem>>, vector<16xi32>,
      tpu.vector_store_idx %arg11[%get3A_205], %broadcast_in_dim3A_5 {add = true} : memref<10240xf32, #tpu.memory_space<vmem>>[vector<16xi32>], vector<16xf32>,
      %dma_wait3A_206 = arith.constant 0 : i32
      %dma_wait3A_207 = arith.constant 0 : i32
      %dma_wait3A_208 = arith.constant 0 : i32
      %dma_wait3A_209 = arith.constant 0 : i32
      %dma_wait3A_210 = tpu.memref_slice %arg10[%dma_wait3A_206, %dma_wait3A_208, %dma_wait3A_209] : memref<2x128x128xf32, #tpu.memory_space<vmem>> -> memref<1x128x128xf32, #tpu.memory_space<vmem>>
      %dma_wait3A_211 = tpu.memref_squeeze %dma_wait3A_210 : memref<1x128x128xf32, #tpu.memory_space<vmem>> -> memref<128x128xf32, #tpu.memory_space<vmem>>
      %dma_wait3A_212 = arith.constant 0 : i32
      %dma_wait3A_213 = arith.constant 0 : i32
      %dma_wait3A_214 = tpu.memref_slice %arg9[%select_n3A_124, %dma_wait3A_212, %dma_wait3A_213] : memref<2x4x128xi32, #tpu.memory_space<vmem>> -> memref<1x4x128xi32, #tpu.memory_space<vmem>>
      %dma_wait3A_215 = tpu.memref_squeeze %dma_wait3A_214 : memref<1x4x128xi32, #tpu.memory_space<vmem>> -> memref<4x128xi32, #tpu.memory_space<vmem>>
      %dma_wait3A_216 = arith.constant 0 : i32
      %dma_wait3A_217 = tpu.memref_slice %dma_wait3A_215[%dma_wait3A_207, %dma_wait3A_216] : memref<4x128xi32, #tpu.memory_space<vmem>> -> memref<1x128xi32, #tpu.memory_space<vmem>>
      %dma_wait3A_218 = tpu.memref_squeeze %dma_wait3A_217 : memref<1x128xi32, #tpu.memory_space<vmem>> -> memref<128xi32, #tpu.memory_space<vmem>>
      %dma_wait3A_219 = arith.constant 0 : i32
      %dma_wait3A_220 = arith.constant 0 : i32
      %dma_wait3A_221 = tpu.memref_slice %arg12[%dma_wait3A_219, %dma_wait3A_220] : memref<10240x128xf32, #tpu.memory_space<vmem_shared>> -> memref<10240x128xf32, #tpu.memory_space<vmem_shared>>
      tpu.wait_indirect_dma semaphore(%arg15 : memref<!tpu.dma_semaphore, #tpu.memory_space<semaphore_mem>>) src(%dma_wait3A_211 : memref<128x128xf32, #tpu.memory_space<vmem>>) dst(%dma_wait3A_221 : memref<10240x128xf32, #tpu.memory_space<vmem_shared>>)
      %dma_start3A_222 = arith.constant 2 : i32
      %dma_start3A_223 = arith.constant 0 : i32
      %dma_start3A_224 = arith.constant 0 : i32
      %dma_start3A_225 = arith.constant 0 : i32
      %dma_start3A_226 = tpu.memref_slice %arg10[%dma_start3A_223, %dma_start3A_224, %dma_start3A_225] : memref<2x128x128xf32, #tpu.memory_space<vmem>> -> memref<1x128x128xf32, #tpu.memory_space<vmem>>
      %dma_start3A_227 = tpu.memref_squeeze %dma_start3A_226 : memref<1x128x128xf32, #tpu.memory_space<vmem>> -> memref<128x128xf32, #tpu.memory_space<vmem>>
      %dma_start3A_228 = arith.constant 0 : i32
      %dma_start3A_229 = tpu.memref_slice %arg8[%dma_start3A_222, %dma_start3A_228] : memref<4x128xi32, #tpu.memory_space<vmem>> -> memref<1x128xi32, #tpu.memory_space<vmem>>
      %dma_start3A_230 = tpu.memref_squeeze %dma_start3A_229 : memref<1x128xi32, #tpu.memory_space<vmem>> -> memref<128xi32, #tpu.memory_space<vmem>>
      %dma_start3A_231 = arith.constant 0 : i32
      %dma_start3A_232 = arith.constant 0 : i32
      %dma_start3A_233 = tpu.memref_slice %arg2[%dma_start3A_231, %dma_start3A_232] : memref<20000x128xf32, #tpu.memory_space<hbm>> -> memref<20000x128xf32, #tpu.memory_space<hbm>>
      tpu.enqueue_indirect_dma source(%dma_start3A_233 : memref<20000x128xf32, #tpu.memory_space<hbm>>) target(%dma_start3A_227 : memref<128x128xf32, #tpu.memory_space<vmem>>) offsets(%dma_start3A_230 : memref<128xi32, #tpu.memory_space<vmem>>) semaphore(%arg13 : memref<!tpu.dma_semaphore, #tpu.memory_space<semaphore_mem>>)
      %dma_wait3A_234 = arith.constant 1 : i32
      %dma_wait3A_235 = arith.constant 1 : i32
      %dma_wait3A_236 = arith.constant 0 : i32
      %dma_wait3A_237 = arith.constant 0 : i32
      %dma_wait3A_238 = tpu.memref_slice %arg10[%dma_wait3A_235, %dma_wait3A_236, %dma_wait3A_237] : memref<2x128x128xf32, #tpu.memory_space<vmem>> -> memref<1x128x128xf32, #tpu.memory_space<vmem>>
      %dma_wait3A_239 = tpu.memref_squeeze %dma_wait3A_238 : memref<1x128x128xf32, #tpu.memory_space<vmem>> -> memref<128x128xf32, #tpu.memory_space<vmem>>
      %dma_wait3A_240 = arith.constant 0 : i32
      %dma_wait3A_241 = tpu.memref_slice %arg8[%dma_wait3A_234, %dma_wait3A_240] : memref<4x128xi32, #tpu.memory_space<vmem>> -> memref<1x128xi32, #tpu.memory_space<vmem>>
      %dma_wait3A_242 = tpu.memref_squeeze %dma_wait3A_241 : memref<1x128xi32, #tpu.memory_space<vmem>> -> memref<128xi32, #tpu.memory_space<vmem>>
      %dma_wait3A_243 = arith.constant 0 : i32
      %dma_wait3A_244 = arith.constant 0 : i32
      %dma_wait3A_245 = tpu.memref_slice %arg2[%dma_wait3A_243, %dma_wait3A_244] : memref<20000x128xf32, #tpu.memory_space<hbm>> -> memref<20000x128xf32, #tpu.memory_space<hbm>>
      tpu.wait_indirect_dma semaphore(%arg14 : memref<!tpu.dma_semaphore, #tpu.memory_space<semaphore_mem>>) src(%dma_wait3A_245 : memref<20000x128xf32, #tpu.memory_space<hbm>>) dst(%dma_wait3A_239 : memref<128x128xf32, #tpu.memory_space<vmem>>)
      %dma_start3A_246 = arith.constant 1 : i32
      %dma_start3A_247 = arith.constant 1 : i32
      %dma_start3A_248 = arith.constant 0 : i32
      %dma_start3A_249 = arith.constant 0 : i32
      %dma_start3A_250 = tpu.memref_slice %arg10[%dma_start3A_246, %dma_start3A_248, %dma_start3A_249] : memref<2x128x128xf32, #tpu.memory_space<vmem>> -> memref<1x128x128xf32, #tpu.memory_space<vmem>>
      %dma_start3A_251 = tpu.memref_squeeze %dma_start3A_250 : memref<1x128x128xf32, #tpu.memory_space<vmem>> -> memref<128x128xf32, #tpu.memory_space<vmem>>
      %dma_start3A_252 = arith.constant 0 : i32
      %dma_start3A_253 = arith.constant 0 : i32
      %dma_start3A_254 = tpu.memref_slice %arg9[%select_n3A_124, %dma_start3A_252, %dma_start3A_253] : memref<2x4x128xi32, #tpu.memory_space<vmem>> -> memref<1x4x128xi32, #tpu.memory_space<vmem>>
      %dma_start3A_255 = tpu.memref_squeeze %dma_start3A_254 : memref<1x4x128xi32, #tpu.memory_space<vmem>> -> memref<4x128xi32, #tpu.memory_space<vmem>>
      %dma_start3A_256 = arith.constant 0 : i32
      %dma_start3A_257 = tpu.memref_slice %dma_start3A_255[%dma_start3A_247, %dma_start3A_256] : memref<4x128xi32, #tpu.memory_space<vmem>> -> memref<1x128xi32, #tpu.memory_space<vmem>>
      %dma_start3A_258 = tpu.memref_squeeze %dma_start3A_257 : memref<1x128xi32, #tpu.memory_space<vmem>> -> memref<128xi32, #tpu.memory_space<vmem>>
      %dma_start3A_259 = arith.constant 0 : i32
      %dma_start3A_260 = arith.constant 0 : i32
      %dma_start3A_261 = tpu.memref_slice %arg12[%dma_start3A_259, %dma_start3A_260] : memref<10240x128xf32, #tpu.memory_space<vmem_shared>> -> memref<10240x128xf32, #tpu.memory_space<vmem_shared>>
      tpu.enqueue_indirect_dma source(%dma_start3A_251 : memref<128x128xf32, #tpu.memory_space<vmem>>) target(%dma_start3A_261 : memref<10240x128xf32, #tpu.memory_space<vmem_shared>>) offsets(%dma_start3A_258 : memref<128xi32, #tpu.memory_space<vmem>>) semaphore(%arg16 : memref<!tpu.dma_semaphore, #tpu.memory_space<semaphore_mem>>) {add = true}
      %get3A_262 = arith.constant 1 : i32
      %get3A_263 = arith.index_cast %select_n3A_124 : i32 to index
      %get3A_264 = arith.index_cast %get3A_262 : i32 to index
      %get3A_265 = arith.constant 0 : index
      %get3A_266 = tpu.vector_load %arg9[%get3A_263, %get3A_264, %get3A_265] {strides = array<i32>} : memref<2x4x128xi32, #tpu.memory_space<vmem>>, vector<16xi32>,
      tpu.vector_store_idx %arg11[%get3A_266], %broadcast_in_dim3A_5 {add = true} : memref<10240xf32, #tpu.memory_space<vmem>>[vector<16xi32>], vector<16xf32>,
      %get3A_267 = arith.constant 1 : i32
      %get3A_268 = arith.index_cast %select_n3A_124 : i32 to index
      %get3A_269 = arith.index_cast %get3A_267 : i32 to index
      %get3A_270 = arith.constant 16 : index
      %get3A_271 = tpu.vector_load %arg9[%get3A_268, %get3A_269, %get3A_270] {strides = array<i32>} : memref<2x4x128xi32, #tpu.memory_space<vmem>>, vector<16xi32>,
      tpu.vector_store_idx %arg11[%get3A_271], %broadcast_in_dim3A_5 {add = true} : memref<10240xf32, #tpu.memory_space<vmem>>[vector<16xi32>], vector<16xf32>,
      %get3A_272 = arith.constant 1 : i32
      %get3A_273 = arith.index_cast %select_n3A_124 : i32 to index
      %get3A_274 = arith.index_cast %get3A_272 : i32 to index
      %get3A_275 = arith.constant 32 : index
      %get3A_276 = tpu.vector_load %arg9[%get3A_273, %get3A_274, %get3A_275] {strides = array<i32>} : memref<2x4x128xi32, #tpu.memory_space<vmem>>, vector<16xi32>,
      tpu.vector_store_idx %arg11[%get3A_276], %broadcast_in_dim3A_5 {add = true} : memref<10240xf32, #tpu.memory_space<vmem>>[vector<16xi32>], vector<16xf32>,
      %get3A_277 = arith.constant 1 : i32
      %get3A_278 = arith.index_cast %select_n3A_124 : i32 to index
      %get3A_279 = arith.index_cast %get3A_277 : i32 to index
      %get3A_280 = arith.constant 48 : index
      %get3A_281 = tpu.vector_load %arg9[%get3A_278, %get3A_279, %get3A_280] {strides = array<i32>} : memref<2x4x128xi32, #tpu.memory_space<vmem>>, vector<16xi32>,
      tpu.vector_store_idx %arg11[%get3A_281], %broadcast_in_dim3A_5 {add = true} : memref<10240xf32, #tpu.memory_space<vmem>>[vector<16xi32>], vector<16xf32>,
      %get3A_282 = arith.constant 1 : i32
      %get3A_283 = arith.index_cast %select_n3A_124 : i32 to index
      %get3A_284 = arith.index_cast %get3A_282 : i32 to index
      %get3A_285 = arith.constant 64 : index
      %get3A_286 = tpu.vector_load %arg9[%get3A_283, %get3A_284, %get3A_285] {strides = array<i32>} : memref<2x4x128xi32, #tpu.memory_space<vmem>>, vector<16xi32>,
      tpu.vector_store_idx %arg11[%get3A_286], %broadcast_in_dim3A_5 {add = true} : memref<10240xf32, #tpu.memory_space<vmem>>[vector<16xi32>], vector<16xf32>,
      %get3A_287 = arith.constant 1 : i32
      %get3A_288 = arith.index_cast %select_n3A_124 : i32 to index
      %get3A_289 = arith.index_cast %get3A_287 : i32 to index
      %get3A_290 = arith.constant 80 : index
      %get3A_291 = tpu.vector_load %arg9[%get3A_288, %get3A_289, %get3A_290] {strides = array<i32>} : memref<2x4x128xi32, #tpu.memory_space<vmem>>, vector<16xi32>,
      tpu.vector_store_idx %arg11[%get3A_291], %broadcast_in_dim3A_5 {add = true} : memref<10240xf32, #tpu.memory_space<vmem>>[vector<16xi32>], vector<16xf32>,
      %get3A_292 = arith.constant 1 : i32
      %get3A_293 = arith.index_cast %select_n3A_124 : i32 to index
      %get3A_294 = arith.index_cast %get3A_292 : i32 to index
      %get3A_295 = arith.constant 96 : index
      %get3A_296 = tpu.vector_load %arg9[%get3A_293, %get3A_294, %get3A_295] {strides = array<i32>} : memref<2x4x128xi32, #tpu.memory_space<vmem>>, vector<16xi32>,
      tpu.vector_store_idx %arg11[%get3A_296], %broadcast_in_dim3A_5 {add = true} : memref<10240xf32, #tpu.memory_space<vmem>>[vector<16xi32>], vector<16xf32>,
      %get3A_297 = arith.constant 1 : i32
      %get3A_298 = arith.index_cast %select_n3A_124 : i32 to index
      %get3A_299 = arith.index_cast %get3A_297 : i32 to index
      %get3A_300 = arith.constant 112 : index
      %get3A_301 = tpu.vector_load %arg9[%get3A_298, %get3A_299, %get3A_300] {strides = array<i32>} : memref<2x4x128xi32, #tpu.memory_space<vmem>>, vector<16xi32>,
      tpu.vector_store_idx %arg11[%get3A_301], %broadcast_in_dim3A_5 {add = true} : memref<10240xf32, #tpu.memory_space<vmem>>[vector<16xi32>], vector<16xf32>,
      %dma_wait3A_302 = arith.constant 1 : i32
      %dma_wait3A_303 = arith.constant 0 : i32
      %dma_wait3A_304 = arith.constant 0 : i32
      %dma_wait3A_305 = arith.constant 0 : i32
      %dma_wait3A_306 = tpu.memref_slice %arg10[%dma_wait3A_302, %dma_wait3A_304, %dma_wait3A_305] : memref<2x128x128xf32, #tpu.memory_space<vmem>> -> memref<1x128x128xf32, #tpu.memory_space<vmem>>
      %dma_wait3A_307 = tpu.memref_squeeze %dma_wait3A_306 : memref<1x128x128xf32, #tpu.memory_space<vmem>> -> memref<128x128xf32, #tpu.memory_space<vmem>>
      %dma_wait3A_308 = arith.constant 0 : i32
      %dma_wait3A_309 = arith.constant 0 : i32
      %dma_wait3A_310 = tpu.memref_slice %arg9[%select_n3A_124, %dma_wait3A_308, %dma_wait3A_309] : memref<2x4x128xi32, #tpu.memory_space<vmem>> -> memref<1x4x128xi32, #tpu.memory_space<vmem>>
      %dma_wait3A_311 = tpu.memref_squeeze %dma_wait3A_310 : memref<1x4x128xi32, #tpu.memory_space<vmem>> -> memref<4x128xi32, #tpu.memory_space<vmem>>
      %dma_wait3A_312 = arith.constant 0 : i32
      %dma_wait3A_313 = tpu.memref_slice %dma_wait3A_311[%dma_wait3A_303, %dma_wait3A_312] : memref<4x128xi32, #tpu.memory_space<vmem>> -> memref<1x128xi32, #tpu.memory_space<vmem>>
      %dma_wait3A_314 = tpu.memref_squeeze %dma_wait3A_313 : memref<1x128xi32, #tpu.memory_space<vmem>> -> memref<128xi32, #tpu.memory_space<vmem>>
      %dma_wait3A_315 = arith.constant 0 : i32
      %dma_wait3A_316 = arith.constant 0 : i32
      %dma_wait3A_317 = tpu.memref_slice %arg12[%dma_wait3A_315, %dma_wait3A_316] : memref<10240x128xf32, #tpu.memory_space<vmem_shared>> -> memref<10240x128xf32, #tpu.memory_space<vmem_shared>>
      tpu.wait_indirect_dma semaphore(%arg16 : memref<!tpu.dma_semaphore, #tpu.memory_space<semaphore_mem>>) src(%dma_wait3A_307 : memref<128x128xf32, #tpu.memory_space<vmem>>) dst(%dma_wait3A_317 : memref<10240x128xf32, #tpu.memory_space<vmem_shared>>)
      %dma_start3A_318 = arith.constant 3 : i32
      %dma_start3A_319 = arith.constant 1 : i32
      %dma_start3A_320 = arith.constant 0 : i32
      %dma_start3A_321 = arith.constant 0 : i32
      %dma_start3A_322 = tpu.memref_slice %arg10[%dma_start3A_319, %dma_start3A_320, %dma_start3A_321] : memref<2x128x128xf32, #tpu.memory_space<vmem>> -> memref<1x128x128xf32, #tpu.memory_space<vmem>>
      %dma_start3A_323 = tpu.memref_squeeze %dma_start3A_322 : memref<1x128x128xf32, #tpu.memory_space<vmem>> -> memref<128x128xf32, #tpu.memory_space<vmem>>
      %dma_start3A_324 = arith.constant 0 : i32
      %dma_start3A_325 = tpu.memref_slice %arg8[%dma_start3A_318, %dma_start3A_324] : memref<4x128xi32, #tpu.memory_space<vmem>> -> memref<1x128xi32, #tpu.memory_space<vmem>>
      %dma_start3A_326 = tpu.memref_squeeze %dma_start3A_325 : memref<1x128xi32, #tpu.memory_space<vmem>> -> memref<128xi32, #tpu.memory_space<vmem>>
      %dma_start3A_327 = arith.constant 0 : i32
      %dma_start3A_328 = arith.constant 0 : i32
      %dma_start3A_329 = tpu.memref_slice %arg2[%dma_start3A_327, %dma_start3A_328] : memref<20000x128xf32, #tpu.memory_space<hbm>> -> memref<20000x128xf32, #tpu.memory_space<hbm>>
      tpu.enqueue_indirect_dma source(%dma_start3A_329 : memref<20000x128xf32, #tpu.memory_space<hbm>>) target(%dma_start3A_323 : memref<128x128xf32, #tpu.memory_space<vmem>>) offsets(%dma_start3A_326 : memref<128xi32, #tpu.memory_space<vmem>>) semaphore(%arg14 : memref<!tpu.dma_semaphore, #tpu.memory_space<semaphore_mem>>)
      %dma_wait3A_330 = arith.constant 2 : i32
      %dma_wait3A_331 = arith.constant 0 : i32
      %dma_wait3A_332 = arith.constant 0 : i32
      %dma_wait3A_333 = arith.constant 0 : i32
      %dma_wait3A_334 = tpu.memref_slice %arg10[%dma_wait3A_331, %dma_wait3A_332, %dma_wait3A_333] : memref<2x128x128xf32, #tpu.memory_space<vmem>> -> memref<1x128x128xf32, #tpu.memory_space<vmem>>
      %dma_wait3A_335 = tpu.memref_squeeze %dma_wait3A_334 : memref<1x128x128xf32, #tpu.memory_space<vmem>> -> memref<128x128xf32, #tpu.memory_space<vmem>>
      %dma_wait3A_336 = arith.constant 0 : i32
      %dma_wait3A_337 = tpu.memref_slice %arg8[%dma_wait3A_330, %dma_wait3A_336] : memref<4x128xi32, #tpu.memory_space<vmem>> -> memref<1x128xi32, #tpu.memory_space<vmem>>
      %dma_wait3A_338 = tpu.memref_squeeze %dma_wait3A_337 : memref<1x128xi32, #tpu.memory_space<vmem>> -> memref<128xi32, #tpu.memory_space<vmem>>
      %dma_wait3A_339 = arith.constant 0 : i32
      %dma_wait3A_340 = arith.constant 0 : i32
      %dma_wait3A_341 = tpu.memref_slice %arg2[%dma_wait3A_339, %dma_wait3A_340] : memref<20000x128xf32, #tpu.memory_space<hbm>> -> memref<20000x128xf32, #tpu.memory_space<hbm>>
      tpu.wait_indirect_dma semaphore(%arg13 : memref<!tpu.dma_semaphore, #tpu.memory_space<semaphore_mem>>) src(%dma_wait3A_341 : memref<20000x128xf32, #tpu.memory_space<hbm>>) dst(%dma_wait3A_335 : memref<128x128xf32, #tpu.memory_space<vmem>>)
      %dma_start3A_342 = arith.constant 0 : i32
      %dma_start3A_343 = arith.constant 2 : i32
      %dma_start3A_344 = arith.constant 0 : i32
      %dma_start3A_345 = arith.constant 0 : i32
      %dma_start3A_346 = tpu.memref_slice %arg10[%dma_start3A_342, %dma_start3A_344, %dma_start3A_345] : memref<2x128x128xf32, #tpu.memory_space<vmem>> -> memref<1x128x128xf32, #tpu.memory_space<vmem>>
      %dma_start3A_347 = tpu.memref_squeeze %dma_start3A_346 : memref<1x128x128xf32, #tpu.memory_space<vmem>> -> memref<128x128xf32, #tpu.memory_space<vmem>>
      %dma_start3A_348 = arith.constant 0 : i32
      %dma_start3A_349 = arith.constant 0 : i32
      %dma_start3A_350 = tpu.memref_slice %arg9[%select_n3A_124, %dma_start3A_348, %dma_start3A_349] : memref<2x4x128xi32, #tpu.memory_space<vmem>> -> memref<1x4x128xi32, #tpu.memory_space<vmem>>
      %dma_start3A_351 = tpu.memref_squeeze %dma_start3A_350 : memref<1x4x128xi32, #tpu.memory_space<vmem>> -> memref<4x128xi32, #tpu.memory_space<vmem>>
      %dma_start3A_352 = arith.constant 0 : i32
      %dma_start3A_353 = tpu.memref_slice %dma_start3A_351[%dma_start3A_343, %dma_start3A_352] : memref<4x128xi32, #tpu.memory_space<vmem>> -> memref<1x128xi32, #tpu.memory_space<vmem>>
      %dma_start3A_354 = tpu.memref_squeeze %dma_start3A_353 : memref<1x128xi32, #tpu.memory_space<vmem>> -> memref<128xi32, #tpu.memory_space<vmem>>
      %dma_start3A_355 = arith.constant 0 : i32
      %dma_start3A_356 = arith.constant 0 : i32
      %dma_start3A_357 = tpu.memref_slice %arg12[%dma_start3A_355, %dma_start3A_356] : memref<10240x128xf32, #tpu.memory_space<vmem_shared>> -> memref<10240x128xf32, #tpu.memory_space<vmem_shared>>
      tpu.enqueue_indirect_dma source(%dma_start3A_347 : memref<128x128xf32, #tpu.memory_space<vmem>>) target(%dma_start3A_357 : memref<10240x128xf32, #tpu.memory_space<vmem_shared>>) offsets(%dma_start3A_354 : memref<128xi32, #tpu.memory_space<vmem>>) semaphore(%arg15 : memref<!tpu.dma_semaphore, #tpu.memory_space<semaphore_mem>>) {add = true}
      %get3A_358 = arith.constant 2 : i32
      %get3A_359 = arith.index_cast %select_n3A_124 : i32 to index
      %get3A_360 = arith.index_cast %get3A_358 : i32 to index
      %get3A_361 = arith.constant 0 : index
      %get3A_362 = tpu.vector_load %arg9[%get3A_359, %get3A_360, %get3A_361] {strides = array<i32>} : memref<2x4x128xi32, #tpu.memory_space<vmem>>, vector<16xi32>,
      tpu.vector_store_idx %arg11[%get3A_362], %broadcast_in_dim3A_5 {add = true} : memref<10240xf32, #tpu.memory_space<vmem>>[vector<16xi32>], vector<16xf32>,
      %get3A_363 = arith.constant 2 : i32
      %get3A_364 = arith.index_cast %select_n3A_124 : i32 to index
      %get3A_365 = arith.index_cast %get3A_363 : i32 to index
      %get3A_366 = arith.constant 16 : index
      %get3A_367 = tpu.vector_load %arg9[%get3A_364, %get3A_365, %get3A_366] {strides = array<i32>} : memref<2x4x128xi32, #tpu.memory_space<vmem>>, vector<16xi32>,
      tpu.vector_store_idx %arg11[%get3A_367], %broadcast_in_dim3A_5 {add = true} : memref<10240xf32, #tpu.memory_space<vmem>>[vector<16xi32>], vector<16xf32>,
      %get3A_368 = arith.constant 2 : i32
      %get3A_369 = arith.index_cast %select_n3A_124 : i32 to index
      %get3A_370 = arith.index_cast %get3A_368 : i32 to index
      %get3A_371 = arith.constant 32 : index
      %get3A_372 = tpu.vector_load %arg9[%get3A_369, %get3A_370, %get3A_371] {strides = array<i32>} : memref<2x4x128xi32, #tpu.memory_space<vmem>>, vector<16xi32>,
      tpu.vector_store_idx %arg11[%get3A_372], %broadcast_in_dim3A_5 {add = true} : memref<10240xf32, #tpu.memory_space<vmem>>[vector<16xi32>], vector<16xf32>,
      %get3A_373 = arith.constant 2 : i32
      %get3A_374 = arith.index_cast %select_n3A_124 : i32 to index
      %get3A_375 = arith.index_cast %get3A_373 : i32 to index
      %get3A_376 = arith.constant 48 : index
      %get3A_377 = tpu.vector_load %arg9[%get3A_374, %get3A_375, %get3A_376] {strides = array<i32>} : memref<2x4x128xi32, #tpu.memory_space<vmem>>, vector<16xi32>,
      tpu.vector_store_idx %arg11[%get3A_377], %broadcast_in_dim3A_5 {add = true} : memref<10240xf32, #tpu.memory_space<vmem>>[vector<16xi32>], vector<16xf32>,
      %get3A_378 = arith.constant 2 : i32
      %get3A_379 = arith.index_cast %select_n3A_124 : i32 to index
      %get3A_380 = arith.index_cast %get3A_378 : i32 to index
      %get3A_381 = arith.constant 64 : index
      %get3A_382 = tpu.vector_load %arg9[%get3A_379, %get3A_380, %get3A_381] {strides = array<i32>} : memref<2x4x128xi32, #tpu.memory_space<vmem>>, vector<16xi32>,
      tpu.vector_store_idx %arg11[%get3A_382], %broadcast_in_dim3A_5 {add = true} : memref<10240xf32, #tpu.memory_space<vmem>>[vector<16xi32>], vector<16xf32>,
      %get3A_383 = arith.constant 2 : i32
      %get3A_384 = arith.index_cast %select_n3A_124 : i32 to index
      %get3A_385 = arith.index_cast %get3A_383 : i32 to index
      %get3A_386 = arith.constant 80 : index
      %get3A_387 = tpu.vector_load %arg9[%get3A_384, %get3A_385, %get3A_386] {strides = array<i32>} : memref<2x4x128xi32, #tpu.memory_space<vmem>>, vector<16xi32>,
      tpu.vector_store_idx %arg11[%get3A_387], %broadcast_in_dim3A_5 {add = true} : memref<10240xf32, #tpu.memory_space<vmem>>[vector<16xi32>], vector<16xf32>,
      %get3A_388 = arith.constant 2 : i32
      %get3A_389 = arith.index_cast %select_n3A_124 : i32 to index
      %get3A_390 = arith.index_cast %get3A_388 : i32 to index
      %get3A_391 = arith.constant 96 : index
      %get3A_392 = tpu.vector_load %arg9[%get3A_389, %get3A_390, %get3A_391] {strides = array<i32>} : memref<2x4x128xi32, #tpu.memory_space<vmem>>, vector<16xi32>,
      tpu.vector_store_idx %arg11[%get3A_392], %broadcast_in_dim3A_5 {add = true} : memref<10240xf32, #tpu.memory_space<vmem>>[vector<16xi32>], vector<16xf32>,
      %get3A_393 = arith.constant 2 : i32
      %get3A_394 = arith.index_cast %select_n3A_124 : i32 to index
      %get3A_395 = arith.index_cast %get3A_393 : i32 to index
      %get3A_396 = arith.constant 112 : index
      %get3A_397 = tpu.vector_load %arg9[%get3A_394, %get3A_395, %get3A_396] {strides = array<i32>} : memref<2x4x128xi32, #tpu.memory_space<vmem>>, vector<16xi32>,
      tpu.vector_store_idx %arg11[%get3A_397], %broadcast_in_dim3A_5 {add = true} : memref<10240xf32, #tpu.memory_space<vmem>>[vector<16xi32>], vector<16xf32>,
      %dma_wait3A_398 = arith.constant 3 : i32
      %dma_wait3A_399 = arith.constant 1 : i32
      %dma_wait3A_400 = arith.constant 0 : i32
      %dma_wait3A_401 = arith.constant 0 : i32
      %dma_wait3A_402 = tpu.memref_slice %arg10[%dma_wait3A_399, %dma_wait3A_400, %dma_wait3A_401] : memref<2x128x128xf32, #tpu.memory_space<vmem>> -> memref<1x128x128xf32, #tpu.memory_space<vmem>>
      %dma_wait3A_403 = tpu.memref_squeeze %dma_wait3A_402 : memref<1x128x128xf32, #tpu.memory_space<vmem>> -> memref<128x128xf32, #tpu.memory_space<vmem>>
      %dma_wait3A_404 = arith.constant 0 : i32
      %dma_wait3A_405 = tpu.memref_slice %arg8[%dma_wait3A_398, %dma_wait3A_404] : memref<4x128xi32, #tpu.memory_space<vmem>> -> memref<1x128xi32, #tpu.memory_space<vmem>>
      %dma_wait3A_406 = tpu.memref_squeeze %dma_wait3A_405 : memref<1x128xi32, #tpu.memory_space<vmem>> -> memref<128xi32, #tpu.memory_space<vmem>>
      %dma_wait3A_407 = arith.constant 0 : i32
      %dma_wait3A_408 = arith.constant 0 : i32
      %dma_wait3A_409 = tpu.memref_slice %arg2[%dma_wait3A_407, %dma_wait3A_408] : memref<20000x128xf32, #tpu.memory_space<hbm>> -> memref<20000x128xf32, #tpu.memory_space<hbm>>
      tpu.wait_indirect_dma semaphore(%arg14 : memref<!tpu.dma_semaphore, #tpu.memory_space<semaphore_mem>>) src(%dma_wait3A_409 : memref<20000x128xf32, #tpu.memory_space<hbm>>) dst(%dma_wait3A_403 : memref<128x128xf32, #tpu.memory_space<vmem>>)
      %dma_start3A_410 = arith.constant 1 : i32
      %dma_start3A_411 = arith.constant 3 : i32
      %dma_start3A_412 = arith.constant 0 : i32
      %dma_start3A_413 = arith.constant 0 : i32
      %dma_start3A_414 = tpu.memref_slice %arg10[%dma_start3A_410, %dma_start3A_412, %dma_start3A_413] : memref<2x128x128xf32, #tpu.memory_space<vmem>> -> memref<1x128x128xf32, #tpu.memory_space<vmem>>
      %dma_start3A_415 = tpu.memref_squeeze %dma_start3A_414 : memref<1x128x128xf32, #tpu.memory_space<vmem>> -> memref<128x128xf32, #tpu.memory_space<vmem>>
      %dma_start3A_416 = arith.constant 0 : i32
      %dma_start3A_417 = arith.constant 0 : i32
      %dma_start3A_418 = tpu.memref_slice %arg9[%select_n3A_124, %dma_start3A_416, %dma_start3A_417] : memref<2x4x128xi32, #tpu.memory_space<vmem>> -> memref<1x4x128xi32, #tpu.memory_space<vmem>>
      %dma_start3A_419 = tpu.memref_squeeze %dma_start3A_418 : memref<1x4x128xi32, #tpu.memory_space<vmem>> -> memref<4x128xi32, #tpu.memory_space<vmem>>
      %dma_start3A_420 = arith.constant 0 : i32
      %dma_start3A_421 = tpu.memref_slice %dma_start3A_419[%dma_start3A_411, %dma_start3A_420] : memref<4x128xi32, #tpu.memory_space<vmem>> -> memref<1x128xi32, #tpu.memory_space<vmem>>
      %dma_start3A_422 = tpu.memref_squeeze %dma_start3A_421 : memref<1x128xi32, #tpu.memory_space<vmem>> -> memref<128xi32, #tpu.memory_space<vmem>>
      %dma_start3A_423 = arith.constant 0 : i32
      %dma_start3A_424 = arith.constant 0 : i32
      %dma_start3A_425 = tpu.memref_slice %arg12[%dma_start3A_423, %dma_start3A_424] : memref<10240x128xf32, #tpu.memory_space<vmem_shared>> -> memref<10240x128xf32, #tpu.memory_space<vmem_shared>>
      tpu.enqueue_indirect_dma source(%dma_start3A_415 : memref<128x128xf32, #tpu.memory_space<vmem>>) target(%dma_start3A_425 : memref<10240x128xf32, #tpu.memory_space<vmem_shared>>) offsets(%dma_start3A_422 : memref<128xi32, #tpu.memory_space<vmem>>) semaphore(%arg16 : memref<!tpu.dma_semaphore, #tpu.memory_space<semaphore_mem>>) {add = true}
      %add3A_426 = arith.constant 1 : i32
      %add3A_427 = arith.addi %add3A_115, %add3A_426 : i32
      %lt3A_428 = arith.constant 20 : i32
      %lt3A_429 = arith.cmpi slt, %add3A_427, %lt3A_428 : i32
      %convert_element_type3A_430 = arith.extui %lt3A_429 : i1 to i32
      %cond3A_431 = arith.constant 0 : i32
      %cond3A_432 = arith.cmpi ne, %convert_element_type3A_430, %cond3A_431 : i32
      scf.if %cond3A_432 {
        %add3A_473 = arith.constant 1 : i32
        %add3A_474 = arith.addi %add3A_115, %add3A_473 : i32
        %mul3A_475 = arith.constant 4 : i32
        %mul3A_476 = arith.muli %add3A_474, %mul3A_475 : i32
        "tpu.region"() ({
          %run_scoped3A_510 = tpu.sem_alloc : memref<!tpu.dma_semaphore, #tpu.memory_space<semaphore_mem>>
          %dma_start3A_511 = arith.constant 0 : i32
          %dma_start3A_512 = arith.constant 0 : i32
          %dma_start3A_513 = arith.constant 0 : i32
          %dma_start3A_514 = tpu.memref_slice %arg3[%arg0, %dma_start3A_511, %dma_start3A_512, %dma_start3A_513] : memref<2x16x80x128xi32, #tpu.memory_space<hbm>> -> memref<1x16x80x128xi32, #tpu.memory_space<hbm>>
          %dma_start3A_515 = tpu.memref_squeeze %dma_start3A_514 : memref<1x16x80x128xi32, #tpu.memory_space<hbm>> -> memref<16x80x128xi32, #tpu.memory_space<hbm>>
          %dma_start3A_516 = arith.constant 0 : i32
          %dma_start3A_517 = arith.constant 0 : i32
          %dma_start3A_518 = tpu.memref_slice %dma_start3A_515[%arg1, %dma_start3A_516, %dma_start3A_517] : memref<16x80x128xi32, #tpu.memory_space<hbm>> -> memref<1x80x128xi32, #tpu.memory_space<hbm>>
          %dma_start3A_519 = tpu.memref_squeeze %dma_start3A_518 : memref<1x80x128xi32, #tpu.memory_space<hbm>> -> memref<80x128xi32, #tpu.memory_space<hbm>>
          %dma_start3A_520 = arith.constant 0 : i32
          %dma_start3A_521 = tpu.memref_slice %dma_start3A_519[%mul3A_476, %dma_start3A_520] : memref<80x128xi32, #tpu.memory_space<hbm>> -> memref<4x128xi32, #tpu.memory_space<hbm>>
          %dma_start3A_522 = arith.constant 0 : i32
          %dma_start3A_523 = arith.constant 0 : i32
          %dma_start3A_524 = arith.constant 0 : i32
          %dma_start3A_525 = tpu.memref_slice %arg3[%arg0, %dma_start3A_522, %dma_start3A_523, %dma_start3A_524] : memref<2x16x80x128xi32, #tpu.memory_space<hbm>> -> memref<1x16x80x128xi32, #tpu.memory_space<hbm>>
          %dma_start3A_526 = tpu.memref_squeeze %dma_start3A_525 : memref<1x16x80x128xi32, #tpu.memory_space<hbm>> -> memref<16x80x128xi32, #tpu.memory_space<hbm>>
          %dma_start3A_527 = arith.constant 0 : i32
          %dma_start3A_528 = arith.constant 0 : i32
          %dma_start3A_529 = tpu.memref_slice %dma_start3A_526[%arg1, %dma_start3A_527, %dma_start3A_528] : memref<16x80x128xi32, #tpu.memory_space<hbm>> -> memref<1x80x128xi32, #tpu.memory_space<hbm>>
          %dma_start3A_530 = tpu.memref_squeeze %dma_start3A_529 : memref<1x80x128xi32, #tpu.memory_space<hbm>> -> memref<80x128xi32, #tpu.memory_space<hbm>>
          %dma_start3A_531 = arith.constant 0 : i32
          %dma_start3A_532 = tpu.memref_slice %dma_start3A_530[%mul3A_476, %dma_start3A_531] : memref<80x128xi32, #tpu.memory_space<hbm>> -> memref<4x128xi32, #tpu.memory_space<hbm>>
          tpu.enqueue_dma source(%dma_start3A_532 : memref<4x128xi32, #tpu.memory_space<hbm>>) target(%arg8 : memref<4x128xi32, #tpu.memory_space<vmem>>) target_semaphore(%run_scoped3A_510 : memref<!tpu.dma_semaphore, #tpu.memory_space<semaphore_mem>>)
          %dma_wait3A_533 = arith.constant 0 : i32
          %dma_wait3A_534 = arith.constant 0 : i32
          %dma_wait3A_535 = arith.constant 0 : i32
          %dma_wait3A_536 = tpu.memref_slice %arg3[%arg0, %dma_wait3A_533, %dma_wait3A_534, %dma_wait3A_535] : memref<2x16x80x128xi32, #tpu.memory_space<hbm>> -> memref<1x16x80x128xi32, #tpu.memory_space<hbm>>
          %dma_wait3A_537 = tpu.memref_squeeze %dma_wait3A_536 : memref<1x16x80x128xi32, #tpu.memory_space<hbm>> -> memref<16x80x128xi32, #tpu.memory_space<hbm>>
          %dma_wait3A_538 = arith.constant 0 : i32
          %dma_wait3A_539 = arith.constant 0 : i32
          %dma_wait3A_540 = tpu.memref_slice %dma_wait3A_537[%arg1, %dma_wait3A_538, %dma_wait3A_539] : memref<16x80x128xi32, #tpu.memory_space<hbm>> -> memref<1x80x128xi32, #tpu.memory_space<hbm>>
          %dma_wait3A_541 = tpu.memref_squeeze %dma_wait3A_540 : memref<1x80x128xi32, #tpu.memory_space<hbm>> -> memref<80x128xi32, #tpu.memory_space<hbm>>
          %dma_wait3A_542 = arith.constant 0 : i32
          %dma_wait3A_543 = tpu.memref_slice %dma_wait3A_541[%mul3A_476, %dma_wait3A_542] : memref<80x128xi32, #tpu.memory_space<hbm>> -> memref<4x128xi32, #tpu.memory_space<hbm>>
          %dma_wait3A_544 = arith.constant 0 : i32
          %dma_wait3A_545 = arith.constant 0 : i32
          %dma_wait3A_546 = arith.constant 0 : i32
          %dma_wait3A_547 = tpu.memref_slice %arg3[%arg0, %dma_wait3A_544, %dma_wait3A_545, %dma_wait3A_546] : memref<2x16x80x128xi32, #tpu.memory_space<hbm>> -> memref<1x16x80x128xi32, #tpu.memory_space<hbm>>
          %dma_wait3A_548 = tpu.memref_squeeze %dma_wait3A_547 : memref<1x16x80x128xi32, #tpu.memory_space<hbm>> -> memref<16x80x128xi32, #tpu.memory_space<hbm>>
          %dma_wait3A_549 = arith.constant 0 : i32
          %dma_wait3A_550 = arith.constant 0 : i32
          %dma_wait3A_551 = tpu.memref_slice %dma_wait3A_548[%arg1, %dma_wait3A_549, %dma_wait3A_550] : memref<16x80x128xi32, #tpu.memory_space<hbm>> -> memref<1x80x128xi32, #tpu.memory_space<hbm>>
          %dma_wait3A_552 = tpu.memref_squeeze %dma_wait3A_551 : memref<1x80x128xi32, #tpu.memory_space<hbm>> -> memref<80x128xi32, #tpu.memory_space<hbm>>
          %dma_wait3A_553 = arith.constant 0 : i32
          %dma_wait3A_554 = tpu.memref_slice %dma_wait3A_552[%mul3A_476, %dma_wait3A_553] : memref<80x128xi32, #tpu.memory_space<hbm>> -> memref<4x128xi32, #tpu.memory_space<hbm>>
          tpu.wait_dma2 semaphore(%run_scoped3A_510 : memref<!tpu.dma_semaphore, #tpu.memory_space<semaphore_mem>>) src(%dma_wait3A_554 : memref<4x128xi32, #tpu.memory_space<hbm>>) dst(%arg8 : memref<4x128xi32, #tpu.memory_space<vmem>>)
          tpu.yield
        }) : () -> ()
        %add3A_477 = arith.constant 1 : i32
        %add3A_478 = arith.addi %add3A_115, %add3A_477 : i32
        %mul3A_479 = arith.constant 4 : i32
        %mul3A_480 = arith.muli %add3A_478, %mul3A_479 : i32
        %sub3A = arith.constant 1 : i32
        %sub3A_481 = arith.subi %sub3A, %select_n3A_124 : i32
        "tpu.region"() ({
          %run_scoped3A_510 = tpu.sem_alloc : memref<!tpu.dma_semaphore, #tpu.memory_space<semaphore_mem>>
          %dma_start3A_511 = arith.constant 0 : i32
          %dma_start3A_512 = arith.constant 0 : i32
          %dma_start3A_513 = tpu.memref_slice %arg9[%sub3A_481, %dma_start3A_511, %dma_start3A_512] : memref<2x4x128xi32, #tpu.memory_space<vmem>> -> memref<1x4x128xi32, #tpu.memory_space<vmem>>
          %dma_start3A_514 = tpu.memref_squeeze %dma_start3A_513 : memref<1x4x128xi32, #tpu.memory_space<vmem>> -> memref<4x128xi32, #tpu.memory_space<vmem>>
          %dma_start3A_515 = arith.constant 0 : i32
          %dma_start3A_516 = arith.constant 0 : i32
          %dma_start3A_517 = tpu.memref_slice %arg4[%arg1, %dma_start3A_515, %dma_start3A_516] : memref<16x80x128xi32, #tpu.memory_space<hbm>> -> memref<1x80x128xi32, #tpu.memory_space<hbm>>
          %dma_start3A_518 = tpu.memref_squeeze %dma_start3A_517 : memref<1x80x128xi32, #tpu.memory_space<hbm>> -> memref<80x128xi32, #tpu.memory_space<hbm>>
          %dma_start3A_519 = arith.constant 0 : i32
          %dma_start3A_520 = tpu.memref_slice %dma_start3A_518[%mul3A_480, %dma_start3A_519] : memref<80x128xi32, #tpu.memory_space<hbm>> -> memref<4x128xi32, #tpu.memory_space<hbm>>
          %dma_start3A_521 = arith.constant 0 : i32
          %dma_start3A_522 = arith.constant 0 : i32
          %dma_start3A_523 = tpu.memref_slice %arg9[%sub3A_481, %dma_start3A_521, %dma_start3A_522] : memref<2x4x128xi32, #tpu.memory_space<vmem>> -> memref<1x4x128xi32, #tpu.memory_space<vmem>>
          %dma_start3A_524 = tpu.memref_squeeze %dma_start3A_523 : memref<1x4x128xi32, #tpu.memory_space<vmem>> -> memref<4x128xi32, #tpu.memory_space<vmem>>
          %dma_start3A_525 = arith.constant 0 : i32
          %dma_start3A_526 = arith.constant 0 : i32
          %dma_start3A_527 = tpu.memref_slice %arg4[%arg1, %dma_start3A_525, %dma_start3A_526] : memref<16x80x128xi32, #tpu.memory_space<hbm>> -> memref<1x80x128xi32, #tpu.memory_space<hbm>>
          %dma_start3A_528 = tpu.memref_squeeze %dma_start3A_527 : memref<1x80x128xi32, #tpu.memory_space<hbm>> -> memref<80x128xi32, #tpu.memory_space<hbm>>
          %dma_start3A_529 = arith.constant 0 : i32
          %dma_start3A_530 = tpu.memref_slice %dma_start3A_528[%mul3A_480, %dma_start3A_529] : memref<80x128xi32, #tpu.memory_space<hbm>> -> memref<4x128xi32, #tpu.memory_space<hbm>>
          tpu.enqueue_dma source(%dma_start3A_530 : memref<4x128xi32, #tpu.memory_space<hbm>>) target(%dma_start3A_524 : memref<4x128xi32, #tpu.memory_space<vmem>>) target_semaphore(%run_scoped3A_510 : memref<!tpu.dma_semaphore, #tpu.memory_space<semaphore_mem>>)
          %dma_wait3A_531 = arith.constant 0 : i32
          %dma_wait3A_532 = arith.constant 0 : i32
          %dma_wait3A_533 = tpu.memref_slice %arg9[%sub3A_481, %dma_wait3A_531, %dma_wait3A_532] : memref<2x4x128xi32, #tpu.memory_space<vmem>> -> memref<1x4x128xi32, #tpu.memory_space<vmem>>
          %dma_wait3A_534 = tpu.memref_squeeze %dma_wait3A_533 : memref<1x4x128xi32, #tpu.memory_space<vmem>> -> memref<4x128xi32, #tpu.memory_space<vmem>>
          %dma_wait3A_535 = arith.constant 0 : i32
          %dma_wait3A_536 = arith.constant 0 : i32
          %dma_wait3A_537 = tpu.memref_slice %arg4[%arg1, %dma_wait3A_535, %dma_wait3A_536] : memref<16x80x128xi32, #tpu.memory_space<hbm>> -> memref<1x80x128xi32, #tpu.memory_space<hbm>>
          %dma_wait3A_538 = tpu.memref_squeeze %dma_wait3A_537 : memref<1x80x128xi32, #tpu.memory_space<hbm>> -> memref<80x128xi32, #tpu.memory_space<hbm>>
          %dma_wait3A_539 = arith.constant 0 : i32
          %dma_wait3A_540 = tpu.memref_slice %dma_wait3A_538[%mul3A_480, %dma_wait3A_539] : memref<80x128xi32, #tpu.memory_space<hbm>> -> memref<4x128xi32, #tpu.memory_space<hbm>>
          %dma_wait3A_541 = arith.constant 0 : i32
          %dma_wait3A_542 = arith.constant 0 : i32
          %dma_wait3A_543 = tpu.memref_slice %arg9[%sub3A_481, %dma_wait3A_541, %dma_wait3A_542] : memref<2x4x128xi32, #tpu.memory_space<vmem>> -> memref<1x4x128xi32, #tpu.memory_space<vmem>>
          %dma_wait3A_544 = tpu.memref_squeeze %dma_wait3A_543 : memref<1x4x128xi32, #tpu.memory_space<vmem>> -> memref<4x128xi32, #tpu.memory_space<vmem>>
          %dma_wait3A_545 = arith.constant 0 : i32
          %dma_wait3A_546 = arith.constant 0 : i32
          %dma_wait3A_547 = tpu.memref_slice %arg4[%arg1, %dma_wait3A_545, %dma_wait3A_546] : memref<16x80x128xi32, #tpu.memory_space<hbm>> -> memref<1x80x128xi32, #tpu.memory_space<hbm>>
          %dma_wait3A_548 = tpu.memref_squeeze %dma_wait3A_547 : memref<1x80x128xi32, #tpu.memory_space<hbm>> -> memref<80x128xi32, #tpu.memory_space<hbm>>
          %dma_wait3A_549 = arith.constant 0 : i32
          %dma_wait3A_550 = tpu.memref_slice %dma_wait3A_548[%mul3A_480, %dma_wait3A_549] : memref<80x128xi32, #tpu.memory_space<hbm>> -> memref<4x128xi32, #tpu.memory_space<hbm>>
          tpu.wait_dma2 semaphore(%run_scoped3A_510 : memref<!tpu.dma_semaphore, #tpu.memory_space<semaphore_mem>>) src(%dma_wait3A_550 : memref<4x128xi32, #tpu.memory_space<hbm>>) dst(%dma_wait3A_544 : memref<4x128xi32, #tpu.memory_space<vmem>>)
          tpu.yield
        }) : () -> ()
        %dma_wait3A_482 = arith.constant 0 : i32
        %dma_wait3A_483 = arith.constant 0 : i32
        %dma_wait3A_484 = arith.constant 0 : i32
        %dma_wait3A_485 = arith.constant 0 : i32
        %dma_wait3A_486 = tpu.memref_slice %arg10[%dma_wait3A_482, %dma_wait3A_484, %dma_wait3A_485] : memref<2x128x128xf32, #tpu.memory_space<vmem>> -> memref<1x128x128xf32, #tpu.memory_space<vmem>>
        %dma_wait3A_487 = tpu.memref_squeeze %dma_wait3A_486 : memref<1x128x128xf32, #tpu.memory_space<vmem>> -> memref<128x128xf32, #tpu.memory_space<vmem>>
        %dma_wait3A_488 = arith.constant 0 : i32
        %dma_wait3A_489 = arith.constant 0 : i32
        %dma_wait3A_490 = tpu.memref_slice %arg9[%select_n3A_124, %dma_wait3A_488, %dma_wait3A_489] : memref<2x4x128xi32, #tpu.memory_space<vmem>> -> memref<1x4x128xi32, #tpu.memory_space<vmem>>
        %dma_wait3A_491 = tpu.memref_squeeze %dma_wait3A_490 : memref<1x4x128xi32, #tpu.memory_space<vmem>> -> memref<4x128xi32, #tpu.memory_space<vmem>>
        %dma_wait3A_492 = arith.constant 0 : i32
        %dma_wait3A_493 = tpu.memref_slice %dma_wait3A_491[%dma_wait3A_483, %dma_wait3A_492] : memref<4x128xi32, #tpu.memory_space<vmem>> -> memref<1x128xi32, #tpu.memory_space<vmem>>
        %dma_wait3A_494 = tpu.memref_squeeze %dma_wait3A_493 : memref<1x128xi32, #tpu.memory_space<vmem>> -> memref<128xi32, #tpu.memory_space<vmem>>
        %dma_wait3A_495 = arith.constant 0 : i32
        %dma_wait3A_496 = arith.constant 0 : i32
        %dma_wait3A_497 = tpu.memref_slice %arg12[%dma_wait3A_495, %dma_wait3A_496] : memref<10240x128xf32, #tpu.memory_space<vmem_shared>> -> memref<10240x128xf32, #tpu.memory_space<vmem_shared>>
        tpu.wait_indirect_dma semaphore(%arg15 : memref<!tpu.dma_semaphore, #tpu.memory_space<semaphore_mem>>) src(%dma_wait3A_487 : memref<128x128xf32, #tpu.memory_space<vmem>>) dst(%dma_wait3A_497 : memref<10240x128xf32, #tpu.memory_space<vmem_shared>>)
        %dma_start3A_498 = arith.constant 0 : i32
        %dma_start3A_499 = arith.constant 0 : i32
        %dma_start3A_500 = arith.constant 0 : i32
        %dma_start3A_501 = arith.constant 0 : i32
        %dma_start3A_502 = tpu.memref_slice %arg10[%dma_start3A_499, %dma_start3A_500, %dma_start3A_501] : memref<2x128x128xf32, #tpu.memory_space<vmem>> -> memref<1x128x128xf32, #tpu.memory_space<vmem>>
        %dma_start3A_503 = tpu.memref_squeeze %dma_start3A_502 : memref<1x128x128xf32, #tpu.memory_space<vmem>> -> memref<128x128xf32, #tpu.memory_space<vmem>>
        %dma_start3A_504 = arith.constant 0 : i32
        %dma_start3A_505 = tpu.memref_slice %arg8[%dma_start3A_498, %dma_start3A_504] : memref<4x128xi32, #tpu.memory_space<vmem>> -> memref<1x128xi32, #tpu.memory_space<vmem>>
        %dma_start3A_506 = tpu.memref_squeeze %dma_start3A_505 : memref<1x128xi32, #tpu.memory_space<vmem>> -> memref<128xi32, #tpu.memory_space<vmem>>
        %dma_start3A_507 = arith.constant 0 : i32
        %dma_start3A_508 = arith.constant 0 : i32
        %dma_start3A_509 = tpu.memref_slice %arg2[%dma_start3A_507, %dma_start3A_508] : memref<20000x128xf32, #tpu.memory_space<hbm>> -> memref<20000x128xf32, #tpu.memory_space<hbm>>
        tpu.enqueue_indirect_dma source(%dma_start3A_509 : memref<20000x128xf32, #tpu.memory_space<hbm>>) target(%dma_start3A_503 : memref<128x128xf32, #tpu.memory_space<vmem>>) offsets(%dma_start3A_506 : memref<128xi32, #tpu.memory_space<vmem>>) semaphore(%arg13 : memref<!tpu.dma_semaphore, #tpu.memory_space<semaphore_mem>>)
      } else {
      }
      %get3A_433 = arith.constant 3 : i32
      %get3A_434 = arith.index_cast %select_n3A_124 : i32 to index
      %get3A_435 = arith.index_cast %get3A_433 : i32 to index
      %get3A_436 = arith.constant 0 : index
      %get3A_437 = tpu.vector_load %arg9[%get3A_434, %get3A_435, %get3A_436] {strides = array<i32>} : memref<2x4x128xi32, #tpu.memory_space<vmem>>, vector<16xi32>,
      tpu.vector_store_idx %arg11[%get3A_437], %broadcast_in_dim3A_5 {add = true} : memref<10240xf32, #tpu.memory_space<vmem>>[vector<16xi32>], vector<16xf32>,
      %get3A_438 = arith.constant 3 : i32
      %get3A_439 = arith.index_cast %select_n3A_124 : i32 to index
      %get3A_440 = arith.index_cast %get3A_438 : i32 to index
      %get3A_441 = arith.constant 16 : index
      %get3A_442 = tpu.vector_load %arg9[%get3A_439, %get3A_440, %get3A_441] {strides = array<i32>} : memref<2x4x128xi32, #tpu.memory_space<vmem>>, vector<16xi32>,
      tpu.vector_store_idx %arg11[%get3A_442], %broadcast_in_dim3A_5 {add = true} : memref<10240xf32, #tpu.memory_space<vmem>>[vector<16xi32>], vector<16xf32>,
      %get3A_443 = arith.constant 3 : i32
      %get3A_444 = arith.index_cast %select_n3A_124 : i32 to index
      %get3A_445 = arith.index_cast %get3A_443 : i32 to index
      %get3A_446 = arith.constant 32 : index
      %get3A_447 = tpu.vector_load %arg9[%get3A_444, %get3A_445, %get3A_446] {strides = array<i32>} : memref<2x4x128xi32, #tpu.memory_space<vmem>>, vector<16xi32>,
      tpu.vector_store_idx %arg11[%get3A_447], %broadcast_in_dim3A_5 {add = true} : memref<10240xf32, #tpu.memory_space<vmem>>[vector<16xi32>], vector<16xf32>,
      %get3A_448 = arith.constant 3 : i32
      %get3A_449 = arith.index_cast %select_n3A_124 : i32 to index
      %get3A_450 = arith.index_cast %get3A_448 : i32 to index
      %get3A_451 = arith.constant 48 : index
      %get3A_452 = tpu.vector_load %arg9[%get3A_449, %get3A_450, %get3A_451] {strides = array<i32>} : memref<2x4x128xi32, #tpu.memory_space<vmem>>, vector<16xi32>,
      tpu.vector_store_idx %arg11[%get3A_452], %broadcast_in_dim3A_5 {add = true} : memref<10240xf32, #tpu.memory_space<vmem>>[vector<16xi32>], vector<16xf32>,
      %get3A_453 = arith.constant 3 : i32
      %get3A_454 = arith.index_cast %select_n3A_124 : i32 to index
      %get3A_455 = arith.index_cast %get3A_453 : i32 to index
      %get3A_456 = arith.constant 64 : index
      %get3A_457 = tpu.vector_load %arg9[%get3A_454, %get3A_455, %get3A_456] {strides = array<i32>} : memref<2x4x128xi32, #tpu.memory_space<vmem>>, vector<16xi32>,
      tpu.vector_store_idx %arg11[%get3A_457], %broadcast_in_dim3A_5 {add = true} : memref<10240xf32, #tpu.memory_space<vmem>>[vector<16xi32>], vector<16xf32>,
      %get3A_458 = arith.constant 3 : i32
      %get3A_459 = arith.index_cast %select_n3A_124 : i32 to index
      %get3A_460 = arith.index_cast %get3A_458 : i32 to index
      %get3A_461 = arith.constant 80 : index
      %get3A_462 = tpu.vector_load %arg9[%get3A_459, %get3A_460, %get3A_461] {strides = array<i32>} : memref<2x4x128xi32, #tpu.memory_space<vmem>>, vector<16xi32>,
      tpu.vector_store_idx %arg11[%get3A_462], %broadcast_in_dim3A_5 {add = true} : memref<10240xf32, #tpu.memory_space<vmem>>[vector<16xi32>], vector<16xf32>,
      %get3A_463 = arith.constant 3 : i32
      %get3A_464 = arith.index_cast %select_n3A_124 : i32 to index
      %get3A_465 = arith.index_cast %get3A_463 : i32 to index
      %get3A_466 = arith.constant 96 : index
      %get3A_467 = tpu.vector_load %arg9[%get3A_464, %get3A_465, %get3A_466] {strides = array<i32>} : memref<2x4x128xi32, #tpu.memory_space<vmem>>, vector<16xi32>,
      tpu.vector_store_idx %arg11[%get3A_467], %broadcast_in_dim3A_5 {add = true} : memref<10240xf32, #tpu.memory_space<vmem>>[vector<16xi32>], vector<16xf32>,
      %get3A_468 = arith.constant 3 : i32
      %get3A_469 = arith.index_cast %select_n3A_124 : i32 to index
      %get3A_470 = arith.index_cast %get3A_468 : i32 to index
      %get3A_471 = arith.constant 112 : index
      %get3A_472 = tpu.vector_load %arg9[%get3A_469, %get3A_470, %get3A_471] {strides = array<i32>} : memref<2x4x128xi32, #tpu.memory_space<vmem>>, vector<16xi32>,
      tpu.vector_store_idx %arg11[%get3A_472], %broadcast_in_dim3A_5 {add = true} : memref<10240xf32, #tpu.memory_space<vmem>>[vector<16xi32>], vector<16xf32>,
    }
    %scan3A_43 = arith.constant 20 : i32
    %dma_wait3A = arith.constant 0 : i32
    %dma_wait3A_44 = arith.constant 1 : i32
    %dma_wait3A_45 = arith.constant 0 : i32
    %dma_wait3A_46 = arith.constant 0 : i32
    %dma_wait3A_47 = arith.constant 0 : i32
    %dma_wait3A_48 = tpu.memref_slice %arg10[%dma_wait3A, %dma_wait3A_46, %dma_wait3A_47] : memref<2x128x128xf32, #tpu.memory_space<vmem>> -> memref<1x128x128xf32, #tpu.memory_space<vmem>>
    %dma_wait3A_49 = tpu.memref_squeeze %dma_wait3A_48 : memref<1x128x128xf32, #tpu.memory_space<vmem>> -> memref<128x128xf32, #tpu.memory_space<vmem>>
    %dma_wait3A_50 = arith.constant 0 : i32
    %dma_wait3A_51 = arith.constant 0 : i32
    %dma_wait3A_52 = tpu.memref_slice %arg9[%dma_wait3A_44, %dma_wait3A_50, %dma_wait3A_51] : memref<2x4x128xi32, #tpu.memory_space<vmem>> -> memref<1x4x128xi32, #tpu.memory_space<vmem>>
    %dma_wait3A_53 = tpu.memref_squeeze %dma_wait3A_52 : memref<1x4x128xi32, #tpu.memory_space<vmem>> -> memref<4x128xi32, #tpu.memory_space<vmem>>
    %dma_wait3A_54 = arith.constant 0 : i32
    %dma_wait3A_55 = tpu.memref_slice %dma_wait3A_53[%dma_wait3A_45, %dma_wait3A_54] : memref<4x128xi32, #tpu.memory_space<vmem>> -> memref<1x128xi32, #tpu.memory_space<vmem>>
    %dma_wait3A_56 = tpu.memref_squeeze %dma_wait3A_55 : memref<1x128xi32, #tpu.memory_space<vmem>> -> memref<128xi32, #tpu.memory_space<vmem>>
    %dma_wait3A_57 = arith.constant 0 : i32
    %dma_wait3A_58 = arith.constant 0 : i32
    %dma_wait3A_59 = tpu.memref_slice %arg12[%dma_wait3A_57, %dma_wait3A_58] : memref<10240x128xf32, #tpu.memory_space<vmem_shared>> -> memref<10240x128xf32, #tpu.memory_space<vmem_shared>>
    tpu.wait_indirect_dma semaphore(%arg15 : memref<!tpu.dma_semaphore, #tpu.memory_space<semaphore_mem>>) src(%dma_wait3A_49 : memref<128x128xf32, #tpu.memory_space<vmem>>) dst(%dma_wait3A_59 : memref<10240x128xf32, #tpu.memory_space<vmem_shared>>)
    %dma_wait3A_60 = arith.constant 1 : i32
    %dma_wait3A_61 = arith.constant 1 : i32
    %dma_wait3A_62 = arith.constant 0 : i32
    %dma_wait3A_63 = arith.constant 0 : i32
    %dma_wait3A_64 = arith.constant 0 : i32
    %dma_wait3A_65 = tpu.memref_slice %arg10[%dma_wait3A_60, %dma_wait3A_63, %dma_wait3A_64] : memref<2x128x128xf32, #tpu.memory_space<vmem>> -> memref<1x128x128xf32, #tpu.memory_space<vmem>>
    %dma_wait3A_66 = tpu.memref_squeeze %dma_wait3A_65 : memref<1x128x128xf32, #tpu.memory_space<vmem>> -> memref<128x128xf32, #tpu.memory_space<vmem>>
    %dma_wait3A_67 = arith.constant 0 : i32
    %dma_wait3A_68 = arith.constant 0 : i32
    %dma_wait3A_69 = tpu.memref_slice %arg9[%dma_wait3A_61, %dma_wait3A_67, %dma_wait3A_68] : memref<2x4x128xi32, #tpu.memory_space<vmem>> -> memref<1x4x128xi32, #tpu.memory_space<vmem>>
    %dma_wait3A_70 = tpu.memref_squeeze %dma_wait3A_69 : memref<1x4x128xi32, #tpu.memory_space<vmem>> -> memref<4x128xi32, #tpu.memory_space<vmem>>
    %dma_wait3A_71 = arith.constant 0 : i32
    %dma_wait3A_72 = tpu.memref_slice %dma_wait3A_70[%dma_wait3A_62, %dma_wait3A_71] : memref<4x128xi32, #tpu.memory_space<vmem>> -> memref<1x128xi32, #tpu.memory_space<vmem>>
    %dma_wait3A_73 = tpu.memref_squeeze %dma_wait3A_72 : memref<1x128xi32, #tpu.memory_space<vmem>> -> memref<128xi32, #tpu.memory_space<vmem>>
    %dma_wait3A_74 = arith.constant 0 : i32
    %dma_wait3A_75 = arith.constant 0 : i32
    %dma_wait3A_76 = tpu.memref_slice %arg12[%dma_wait3A_74, %dma_wait3A_75] : memref<10240x128xf32, #tpu.memory_space<vmem_shared>> -> memref<10240x128xf32, #tpu.memory_space<vmem_shared>>
    tpu.wait_indirect_dma semaphore(%arg16 : memref<!tpu.dma_semaphore, #tpu.memory_space<semaphore_mem>>) src(%dma_wait3A_66 : memref<128x128xf32, #tpu.memory_space<vmem>>) dst(%dma_wait3A_76 : memref<10240x128xf32, #tpu.memory_space<vmem_shared>>)
    %mul3A_77 = arith.constant 16 : i32
    %mul3A_78 = arith.muli %arg0, %mul3A_77 : i32
    %add3A_79 = arith.addi %mul3A_78, %arg1 : i32
    "tpu.region"() ({
      %run_scoped3A_111 = tpu.sem_alloc : memref<!tpu.dma_semaphore, #tpu.memory_space<semaphore_mem>>
      %dma_start3A_112 = arith.constant 0 : i32
      %dma_start3A_113 = tpu.memref_slice %arg7[%add3A_79, %dma_start3A_112] : memref<32x10240xf32, #tpu.memory_space<hbm>> -> memref<1x10240xf32, #tpu.memory_space<hbm>>
      %dma_start3A_114 = tpu.memref_squeeze %dma_start3A_113 : memref<1x10240xf32, #tpu.memory_space<hbm>> -> memref<10240xf32, #tpu.memory_space<hbm>>
      %dma_start3A_115 = arith.constant 0 : i32
      %dma_start3A_116 = tpu.memref_slice %arg7[%add3A_79, %dma_start3A_115] : memref<32x10240xf32, #tpu.memory_space<hbm>> -> memref<1x10240xf32, #tpu.memory_space<hbm>>
      %dma_start3A_117 = tpu.memref_squeeze %dma_start3A_116 : memref<1x10240xf32, #tpu.memory_space<hbm>> -> memref<10240xf32, #tpu.memory_space<hbm>>
      tpu.enqueue_dma source(%arg11 : memref<10240xf32, #tpu.memory_space<vmem>>) target(%dma_start3A_117 : memref<10240xf32, #tpu.memory_space<hbm>>) target_semaphore(%run_scoped3A_111 : memref<!tpu.dma_semaphore, #tpu.memory_space<semaphore_mem>>)
      %dma_wait3A_118 = arith.constant 0 : i32
      %dma_wait3A_119 = tpu.memref_slice %arg7[%add3A_79, %dma_wait3A_118] : memref<32x10240xf32, #tpu.memory_space<hbm>> -> memref<1x10240xf32, #tpu.memory_space<hbm>>
      %dma_wait3A_120 = tpu.memref_squeeze %dma_wait3A_119 : memref<1x10240xf32, #tpu.memory_space<hbm>> -> memref<10240xf32, #tpu.memory_space<hbm>>
      %dma_wait3A_121 = arith.constant 0 : i32
      %dma_wait3A_122 = tpu.memref_slice %arg7[%add3A_79, %dma_wait3A_121] : memref<32x10240xf32, #tpu.memory_space<hbm>> -> memref<1x10240xf32, #tpu.memory_space<hbm>>
      %dma_wait3A_123 = tpu.memref_squeeze %dma_wait3A_122 : memref<1x10240xf32, #tpu.memory_space<hbm>> -> memref<10240xf32, #tpu.memory_space<hbm>>
      tpu.wait_dma2 semaphore(%run_scoped3A_111 : memref<!tpu.dma_semaphore, #tpu.memory_space<semaphore_mem>>) src(%arg11 : memref<10240xf32, #tpu.memory_space<vmem>>) dst(%dma_wait3A_123 : memref<10240xf32, #tpu.memory_space<hbm>>)
      tpu.yield
    }) : () -> ()
    %barrier3A_80 = arith.constant 0 : index
    tpu.barrier barrier_id(%barrier3A_80)
    %add3A_81 = arith.constant 0 : i32
    %add3A_82 = arith.addi %mul3A_0, %add3A_81 : i32
    %run_scoped3A_83 = arith.constant 0 : i32
    "tpu.region"() ({
      %run_scoped3A_111 = tpu.sem_alloc : memref<!tpu.dma_semaphore, #tpu.memory_space<semaphore_mem>>
      %dma_start3A_112 = arith.constant 0 : i32
      %dma_start3A_113 = arith.constant 0 : i32
      %dma_start3A_114 = tpu.memref_slice %arg10[%run_scoped3A_83, %dma_start3A_112, %dma_start3A_113] : memref<2x128x128xf32, #tpu.memory_space<vmem>> -> memref<1x128x128xf32, #tpu.memory_space<vmem>>
      %dma_start3A_115 = tpu.memref_squeeze %dma_start3A_114 : memref<1x128x128xf32, #tpu.memory_space<vmem>> -> memref<128x128xf32, #tpu.memory_space<vmem>>
      %dma_start3A_116 = arith.constant 0 : i32
      %dma_start3A_117 = arith.constant 0 : i32
      %dma_start3A_118 = tpu.memref_slice %dma_start3A_115[%dma_start3A_116, %dma_start3A_117] : memref<128x128xf32, #tpu.memory_space<vmem>> -> memref<128x128xf32, #tpu.memory_space<vmem>>
      %dma_start3A_119 = arith.constant 0 : i32
      %dma_start3A_120 = tpu.memref_slice %arg12[%add3A_82, %dma_start3A_119] : memref<10240x128xf32, #tpu.memory_space<vmem_shared>> -> memref<128x128xf32, #tpu.memory_space<vmem_shared>>
      %dma_start3A_121 = arith.constant 0 : i32
      %dma_start3A_122 = arith.constant 0 : i32
      %dma_start3A_123 = tpu.memref_slice %arg10[%run_scoped3A_83, %dma_start3A_121, %dma_start3A_122] : memref<2x128x128xf32, #tpu.memory_space<vmem>> -> memref<1x128x128xf32, #tpu.memory_space<vmem>>
      %dma_start3A_124 = tpu.memref_squeeze %dma_start3A_123 : memref<1x128x128xf32, #tpu.memory_space<vmem>> -> memref<128x128xf32, #tpu.memory_space<vmem>>
      %dma_start3A_125 = arith.constant 0 : i32
      %dma_start3A_126 = arith.constant 0 : i32
      %dma_start3A_127 = tpu.memref_slice %dma_start3A_124[%dma_start3A_125, %dma_start3A_126] : memref<128x128xf32, #tpu.memory_space<vmem>> -> memref<128x128xf32, #tpu.memory_space<vmem>>
      %dma_start3A_128 = arith.constant 0 : i32
      %dma_start3A_129 = tpu.memref_slice %arg12[%add3A_82, %dma_start3A_128] : memref<10240x128xf32, #tpu.memory_space<vmem_shared>> -> memref<128x128xf32, #tpu.memory_space<vmem_shared>>
      tpu.enqueue_dma source(%dma_start3A_129 : memref<128x128xf32, #tpu.memory_space<vmem_shared>>) target(%dma_start3A_127 : memref<128x128xf32, #tpu.memory_space<vmem>>) target_semaphore(%run_scoped3A_111 : memref<!tpu.dma_semaphore, #tpu.memory_space<semaphore_mem>>)
      %dma_wait3A_130 = arith.constant 0 : i32
      %dma_wait3A_131 = arith.constant 0 : i32
      %dma_wait3A_132 = tpu.memref_slice %arg10[%run_scoped3A_83, %dma_wait3A_130, %dma_wait3A_131] : memref<2x128x128xf32, #tpu.memory_space<vmem>> -> memref<1x128x128xf32, #tpu.memory_space<vmem>>
      %dma_wait3A_133 = tpu.memref_squeeze %dma_wait3A_132 : memref<1x128x128xf32, #tpu.memory_space<vmem>> -> memref<128x128xf32, #tpu.memory_space<vmem>>
      %dma_wait3A_134 = arith.constant 0 : i32
      %dma_wait3A_135 = arith.constant 0 : i32
      %dma_wait3A_136 = tpu.memref_slice %dma_wait3A_133[%dma_wait3A_134, %dma_wait3A_135] : memref<128x128xf32, #tpu.memory_space<vmem>> -> memref<128x128xf32, #tpu.memory_space<vmem>>
      %dma_wait3A_137 = arith.constant 0 : i32
      %dma_wait3A_138 = tpu.memref_slice %arg12[%add3A_82, %dma_wait3A_137] : memref<10240x128xf32, #tpu.memory_space<vmem_shared>> -> memref<128x128xf32, #tpu.memory_space<vmem_shared>>
      %dma_wait3A_139 = arith.constant 0 : i32
      %dma_wait3A_140 = arith.constant 0 : i32
      %dma_wait3A_141 = tpu.memref_slice %arg10[%run_scoped3A_83, %dma_wait3A_139, %dma_wait3A_140] : memref<2x128x128xf32, #tpu.memory_space<vmem>> -> memref<1x128x128xf32, #tpu.memory_space<vmem>>
      %dma_wait3A_142 = tpu.memref_squeeze %dma_wait3A_141 : memref<1x128x128xf32, #tpu.memory_space<vmem>> -> memref<128x128xf32, #tpu.memory_space<vmem>>
      %dma_wait3A_143 = arith.constant 0 : i32
      %dma_wait3A_144 = arith.constant 0 : i32
      %dma_wait3A_145 = tpu.memref_slice %dma_wait3A_142[%dma_wait3A_143, %dma_wait3A_144] : memref<128x128xf32, #tpu.memory_space<vmem>> -> memref<128x128xf32, #tpu.memory_space<vmem>>
      %dma_wait3A_146 = arith.constant 0 : i32
      %dma_wait3A_147 = tpu.memref_slice %arg12[%add3A_82, %dma_wait3A_146] : memref<10240x128xf32, #tpu.memory_space<vmem_shared>> -> memref<128x128xf32, #tpu.memory_space<vmem_shared>>
      tpu.wait_dma2 semaphore(%run_scoped3A_111 : memref<!tpu.dma_semaphore, #tpu.memory_space<semaphore_mem>>) src(%dma_wait3A_147 : memref<128x128xf32, #tpu.memory_space<vmem_shared>>) dst(%dma_wait3A_145 : memref<128x128xf32, #tpu.memory_space<vmem>>)
      tpu.yield
    }) : () -> ()
    %add3A_84 = arith.constant 0 : i32
    %add3A_85 = arith.addi %add3A, %add3A_84 : i32
    %run_scoped3A_86 = arith.constant 0 : i32
    "tpu.region"() ({
      %run_scoped3A_111 = tpu.sem_alloc : memref<!tpu.dma_semaphore, #tpu.memory_space<semaphore_mem>>
      %dma_start3A_112 = arith.constant 0 : i32
      %dma_start3A_113 = arith.constant 0 : i32
      %dma_start3A_114 = tpu.memref_slice %arg10[%run_scoped3A_86, %dma_start3A_112, %dma_start3A_113] : memref<2x128x128xf32, #tpu.memory_space<vmem>> -> memref<1x128x128xf32, #tpu.memory_space<vmem>>
      %dma_start3A_115 = tpu.memref_squeeze %dma_start3A_114 : memref<1x128x128xf32, #tpu.memory_space<vmem>> -> memref<128x128xf32, #tpu.memory_space<vmem>>
      %dma_start3A_116 = arith.constant 0 : i32
      %dma_start3A_117 = arith.constant 0 : i32
      %dma_start3A_118 = tpu.memref_slice %dma_start3A_115[%dma_start3A_116, %dma_start3A_117] : memref<128x128xf32, #tpu.memory_space<vmem>> -> memref<128x128xf32, #tpu.memory_space<vmem>>
      %dma_start3A_119 = arith.constant 0 : i32
      %dma_start3A_120 = tpu.memref_slice %arg6[%add3A_85, %dma_start3A_119] : memref<20480x128xf32, #tpu.memory_space<hbm>> -> memref<128x128xf32, #tpu.memory_space<hbm>>
      %dma_start3A_121 = arith.constant 0 : i32
      %dma_start3A_122 = tpu.memref_slice %arg6[%add3A_85, %dma_start3A_121] : memref<20480x128xf32, #tpu.memory_space<hbm>> -> memref<128x128xf32, #tpu.memory_space<hbm>>
      %dma_start3A_123 = arith.constant 0 : i32
      %dma_start3A_124 = arith.constant 0 : i32
      %dma_start3A_125 = tpu.memref_slice %arg10[%run_scoped3A_86, %dma_start3A_123, %dma_start3A_124] : memref<2x128x128xf32, #tpu.memory_space<vmem>> -> memref<1x128x128xf32, #tpu.memory_space<vmem>>
      %dma_start3A_126 = tpu.memref_squeeze %dma_start3A_125 : memref<1x128x128xf32, #tpu.memory_space<vmem>> -> memref<128x128xf32, #tpu.memory_space<vmem>>
      %dma_start3A_127 = arith.constant 0 : i32
      %dma_start3A_128 = arith.constant 0 : i32
      %dma_start3A_129 = tpu.memref_slice %dma_start3A_126[%dma_start3A_127, %dma_start3A_128] : memref<128x128xf32, #tpu.memory_space<vmem>> -> memref<128x128xf32, #tpu.memory_space<vmem>>
      tpu.enqueue_dma source(%dma_start3A_129 : memref<128x128xf32, #tpu.memory_space<vmem>>) target(%dma_start3A_122 : memref<128x128xf32, #tpu.memory_space<hbm>>) target_semaphore(%run_scoped3A_111 : memref<!tpu.dma_semaphore, #tpu.memory_space<semaphore_mem>>)
      %dma_wait3A_130 = arith.constant 0 : i32
      %dma_wait3A_131 = arith.constant 0 : i32
      %dma_wait3A_132 = tpu.memref_slice %arg10[%run_scoped3A_86, %dma_wait3A_130, %dma_wait3A_131] : memref<2x128x128xf32, #tpu.memory_space<vmem>> -> memref<1x128x128xf32, #tpu.memory_space<vmem>>
      %dma_wait3A_133 = tpu.memref_squeeze %dma_wait3A_132 : memref<1x128x128xf32, #tpu.memory_space<vmem>> -> memref<128x128xf32, #tpu.memory_space<vmem>>
      %dma_wait3A_134 = arith.constant 0 : i32
      %dma_wait3A_135 = arith.constant 0 : i32
      %dma_wait3A_136 = tpu.memref_slice %dma_wait3A_133[%dma_wait3A_134, %dma_wait3A_135] : memref<128x128xf32, #tpu.memory_space<vmem>> -> memref<128x128xf32, #tpu.memory_space<vmem>>
      %dma_wait3A_137 = arith.constant 0 : i32
      %dma_wait3A_138 = tpu.memref_slice %arg6[%add3A_85, %dma_wait3A_137] : memref<20480x128xf32, #tpu.memory_space<hbm>> -> memref<128x128xf32, #tpu.memory_space<hbm>>
      %dma_wait3A_139 = arith.constant 0 : i32
      %dma_wait3A_140 = tpu.memref_slice %arg6[%add3A_85, %dma_wait3A_139] : memref<20480x128xf32, #tpu.memory_space<hbm>> -> memref<128x128xf32, #tpu.memory_space<hbm>>
      %dma_wait3A_141 = arith.constant 0 : i32
      %dma_wait3A_142 = arith.constant 0 : i32
      %dma_wait3A_143 = tpu.memref_slice %arg10[%run_scoped3A_86, %dma_wait3A_141, %dma_wait3A_142] : memref<2x128x128xf32, #tpu.memory_space<vmem>> -> memref<1x128x128xf32, #tpu.memory_space<vmem>>
      %dma_wait3A_144 = tpu.memref_squeeze %dma_wait3A_143 : memref<1x128x128xf32, #tpu.memory_space<vmem>> -> memref<128x128xf32, #tpu.memory_space<vmem>>
      %dma_wait3A_145 = arith.constant 0 : i32
      %dma_wait3A_146 = arith.constant 0 : i32
      %dma_wait3A_147 = tpu.memref_slice %dma_wait3A_144[%dma_wait3A_145, %dma_wait3A_146] : memref<128x128xf32, #tpu.memory_space<vmem>> -> memref<128x128xf32, #tpu.memory_space<vmem>>
      tpu.wait_dma2 semaphore(%run_scoped3A_111 : memref<!tpu.dma_semaphore, #tpu.memory_space<semaphore_mem>>) src(%dma_wait3A_147 : memref<128x128xf32, #tpu.memory_space<vmem>>) dst(%dma_wait3A_140 : memref<128x128xf32, #tpu.memory_space<hbm>>)
      tpu.yield
    }) : () -> ()
    %add3A_87 = arith.constant 128 : i32
    %add3A_88 = arith.addi %mul3A_0, %add3A_87 : i32
    %run_scoped3A_89 = arith.constant 0 : i32
    "tpu.region"() ({
      %run_scoped3A_111 = tpu.sem_alloc : memref<!tpu.dma_semaphore, #tpu.memory_space<semaphore_mem>>
      %dma_start3A_112 = arith.constant 0 : i32
      %dma_start3A_113 = arith.constant 0 : i32
      %dma_start3A_114 = tpu.memref_slice %arg10[%run_scoped3A_89, %dma_start3A_112, %dma_start3A_113] : memref<2x128x128xf32, #tpu.memory_space<vmem>> -> memref<1x128x128xf32, #tpu.memory_space<vmem>>
      %dma_start3A_115 = tpu.memref_squeeze %dma_start3A_114 : memref<1x128x128xf32, #tpu.memory_space<vmem>> -> memref<128x128xf32, #tpu.memory_space<vmem>>
      %dma_start3A_116 = arith.constant 0 : i32
      %dma_start3A_117 = arith.constant 0 : i32
      %dma_start3A_118 = tpu.memref_slice %dma_start3A_115[%dma_start3A_116, %dma_start3A_117] : memref<128x128xf32, #tpu.memory_space<vmem>> -> memref<128x128xf32, #tpu.memory_space<vmem>>
      %dma_start3A_119 = arith.constant 0 : i32
      %dma_start3A_120 = tpu.memref_slice %arg12[%add3A_88, %dma_start3A_119] : memref<10240x128xf32, #tpu.memory_space<vmem_shared>> -> memref<128x128xf32, #tpu.memory_space<vmem_shared>>
      %dma_start3A_121 = arith.constant 0 : i32
      %dma_start3A_122 = arith.constant 0 : i32
      %dma_start3A_123 = tpu.memref_slice %arg10[%run_scoped3A_89, %dma_start3A_121, %dma_start3A_122] : memref<2x128x128xf32, #tpu.memory_space<vmem>> -> memref<1x128x128xf32, #tpu.memory_space<vmem>>
      %dma_start3A_124 = tpu.memref_squeeze %dma_start3A_123 : memref<1x128x128xf32, #tpu.memory_space<vmem>> -> memref<128x128xf32, #tpu.memory_space<vmem>>
      %dma_start3A_125 = arith.constant 0 : i32
      %dma_start3A_126 = arith.constant 0 : i32
      %dma_start3A_127 = tpu.memref_slice %dma_start3A_124[%dma_start3A_125, %dma_start3A_126] : memref<128x128xf32, #tpu.memory_space<vmem>> -> memref<128x128xf32, #tpu.memory_space<vmem>>
      %dma_start3A_128 = arith.constant 0 : i32
      %dma_start3A_129 = tpu.memref_slice %arg12[%add3A_88, %dma_start3A_128] : memref<10240x128xf32, #tpu.memory_space<vmem_shared>> -> memref<128x128xf32, #tpu.memory_space<vmem_shared>>
      tpu.enqueue_dma source(%dma_start3A_129 : memref<128x128xf32, #tpu.memory_space<vmem_shared>>) target(%dma_start3A_127 : memref<128x128xf32, #tpu.memory_space<vmem>>) target_semaphore(%run_scoped3A_111 : memref<!tpu.dma_semaphore, #tpu.memory_space<semaphore_mem>>)
      %dma_wait3A_130 = arith.constant 0 : i32
      %dma_wait3A_131 = arith.constant 0 : i32
      %dma_wait3A_132 = tpu.memref_slice %arg10[%run_scoped3A_89, %dma_wait3A_130, %dma_wait3A_131] : memref<2x128x128xf32, #tpu.memory_space<vmem>> -> memref<1x128x128xf32, #tpu.memory_space<vmem>>
      %dma_wait3A_133 = tpu.memref_squeeze %dma_wait3A_132 : memref<1x128x128xf32, #tpu.memory_space<vmem>> -> memref<128x128xf32, #tpu.memory_space<vmem>>
      %dma_wait3A_134 = arith.constant 0 : i32
      %dma_wait3A_135 = arith.constant 0 : i32
      %dma_wait3A_136 = tpu.memref_slice %dma_wait3A_133[%dma_wait3A_134, %dma_wait3A_135] : memref<128x128xf32, #tpu.memory_space<vmem>> -> memref<128x128xf32, #tpu.memory_space<vmem>>
      %dma_wait3A_137 = arith.constant 0 : i32
      %dma_wait3A_138 = tpu.memref_slice %arg12[%add3A_88, %dma_wait3A_137] : memref<10240x128xf32, #tpu.memory_space<vmem_shared>> -> memref<128x128xf32, #tpu.memory_space<vmem_shared>>
      %dma_wait3A_139 = arith.constant 0 : i32
      %dma_wait3A_140 = arith.constant 0 : i32
      %dma_wait3A_141 = tpu.memref_slice %arg10[%run_scoped3A_89, %dma_wait3A_139, %dma_wait3A_140] : memref<2x128x128xf32, #tpu.memory_space<vmem>> -> memref<1x128x128xf32, #tpu.memory_space<vmem>>
      %dma_wait3A_142 = tpu.memref_squeeze %dma_wait3A_141 : memref<1x128x128xf32, #tpu.memory_space<vmem>> -> memref<128x128xf32, #tpu.memory_space<vmem>>
      %dma_wait3A_143 = arith.constant 0 : i32
      %dma_wait3A_144 = arith.constant 0 : i32
      %dma_wait3A_145 = tpu.memref_slice %dma_wait3A_142[%dma_wait3A_143, %dma_wait3A_144] : memref<128x128xf32, #tpu.memory_space<vmem>> -> memref<128x128xf32, #tpu.memory_space<vmem>>
      %dma_wait3A_146 = arith.constant 0 : i32
      %dma_wait3A_147 = tpu.memref_slice %arg12[%add3A_88, %dma_wait3A_146] : memref<10240x128xf32, #tpu.memory_space<vmem_shared>> -> memref<128x128xf32, #tpu.memory_space<vmem_shared>>
      tpu.wait_dma2 semaphore(%run_scoped3A_111 : memref<!tpu.dma_semaphore, #tpu.memory_space<semaphore_mem>>) src(%dma_wait3A_147 : memref<128x128xf32, #tpu.memory_space<vmem_shared>>) dst(%dma_wait3A_145 : memref<128x128xf32, #tpu.memory_space<vmem>>)
      tpu.yield
    }) : () -> ()
    %add3A_90 = arith.constant 128 : i32
    %add3A_91 = arith.addi %add3A, %add3A_90 : i32
    %run_scoped3A_92 = arith.constant 0 : i32
    "tpu.region"() ({
      %run_scoped3A_111 = tpu.sem_alloc : memref<!tpu.dma_semaphore, #tpu.memory_space<semaphore_mem>>
      %dma_start3A_112 = arith.constant 0 : i32
      %dma_start3A_113 = arith.constant 0 : i32
      %dma_start3A_114 = tpu.memref_slice %arg10[%run_scoped3A_92, %dma_start3A_112, %dma_start3A_113] : memref<2x128x128xf32, #tpu.memory_space<vmem>> -> memref<1x128x128xf32, #tpu.memory_space<vmem>>
      %dma_start3A_115 = tpu.memref_squeeze %dma_start3A_114 : memref<1x128x128xf32, #tpu.memory_space<vmem>> -> memref<128x128xf32, #tpu.memory_space<vmem>>
      %dma_start3A_116 = arith.constant 0 : i32
      %dma_start3A_117 = arith.constant 0 : i32
      %dma_start3A_118 = tpu.memref_slice %dma_start3A_115[%dma_start3A_116, %dma_start3A_117] : memref<128x128xf32, #tpu.memory_space<vmem>> -> memref<128x128xf32, #tpu.memory_space<vmem>>
      %dma_start3A_119 = arith.constant 0 : i32
      %dma_start3A_120 = tpu.memref_slice %arg6[%add3A_91, %dma_start3A_119] : memref<20480x128xf32, #tpu.memory_space<hbm>> -> memref<128x128xf32, #tpu.memory_space<hbm>>
      %dma_start3A_121 = arith.constant 0 : i32
      %dma_start3A_122 = tpu.memref_slice %arg6[%add3A_91, %dma_start3A_121] : memref<20480x128xf32, #tpu.memory_space<hbm>> -> memref<128x128xf32, #tpu.memory_space<hbm>>
      %dma_start3A_123 = arith.constant 0 : i32
      %dma_start3A_124 = arith.constant 0 : i32
      %dma_start3A_125 = tpu.memref_slice %arg10[%run_scoped3A_92, %dma_start3A_123, %dma_start3A_124] : memref<2x128x128xf32, #tpu.memory_space<vmem>> -> memref<1x128x128xf32, #tpu.memory_space<vmem>>
      %dma_start3A_126 = tpu.memref_squeeze %dma_start3A_125 : memref<1x128x128xf32, #tpu.memory_space<vmem>> -> memref<128x128xf32, #tpu.memory_space<vmem>>
      %dma_start3A_127 = arith.constant 0 : i32
      %dma_start3A_128 = arith.constant 0 : i32
      %dma_start3A_129 = tpu.memref_slice %dma_start3A_126[%dma_start3A_127, %dma_start3A_128] : memref<128x128xf32, #tpu.memory_space<vmem>> -> memref<128x128xf32, #tpu.memory_space<vmem>>
      tpu.enqueue_dma source(%dma_start3A_129 : memref<128x128xf32, #tpu.memory_space<vmem>>) target(%dma_start3A_122 : memref<128x128xf32, #tpu.memory_space<hbm>>) target_semaphore(%run_scoped3A_111 : memref<!tpu.dma_semaphore, #tpu.memory_space<semaphore_mem>>)
      %dma_wait3A_130 = arith.constant 0 : i32
      %dma_wait3A_131 = arith.constant 0 : i32
      %dma_wait3A_132 = tpu.memref_slice %arg10[%run_scoped3A_92, %dma_wait3A_130, %dma_wait3A_131] : memref<2x128x128xf32, #tpu.memory_space<vmem>> -> memref<1x128x128xf32, #tpu.memory_space<vmem>>
      %dma_wait3A_133 = tpu.memref_squeeze %dma_wait3A_132 : memref<1x128x128xf32, #tpu.memory_space<vmem>> -> memref<128x128xf32, #tpu.memory_space<vmem>>
      %dma_wait3A_134 = arith.constant 0 : i32
      %dma_wait3A_135 = arith.constant 0 : i32
      %dma_wait3A_136 = tpu.memref_slice %dma_wait3A_133[%dma_wait3A_134, %dma_wait3A_135] : memref<128x128xf32, #tpu.memory_space<vmem>> -> memref<128x128xf32, #tpu.memory_space<vmem>>
      %dma_wait3A_137 = arith.constant 0 : i32
      %dma_wait3A_138 = tpu.memref_slice %arg6[%add3A_91, %dma_wait3A_137] : memref<20480x128xf32, #tpu.memory_space<hbm>> -> memref<128x128xf32, #tpu.memory_space<hbm>>
      %dma_wait3A_139 = arith.constant 0 : i32
      %dma_wait3A_140 = tpu.memref_slice %arg6[%add3A_91, %dma_wait3A_139] : memref<20480x128xf32, #tpu.memory_space<hbm>> -> memref<128x128xf32, #tpu.memory_space<hbm>>
      %dma_wait3A_141 = arith.constant 0 : i32
      %dma_wait3A_142 = arith.constant 0 : i32
      %dma_wait3A_143 = tpu.memref_slice %arg10[%run_scoped3A_92, %dma_wait3A_141, %dma_wait3A_142] : memref<2x128x128xf32, #tpu.memory_space<vmem>> -> memref<1x128x128xf32, #tpu.memory_space<vmem>>
      %dma_wait3A_144 = tpu.memref_squeeze %dma_wait3A_143 : memref<1x128x128xf32, #tpu.memory_space<vmem>> -> memref<128x128xf32, #tpu.memory_space<vmem>>
      %dma_wait3A_145 = arith.constant 0 : i32
      %dma_wait3A_146 = arith.constant 0 : i32
      %dma_wait3A_147 = tpu.memref_slice %dma_wait3A_144[%dma_wait3A_145, %dma_wait3A_146] : memref<128x128xf32, #tpu.memory_space<vmem>> -> memref<128x128xf32, #tpu.memory_space<vmem>>
      tpu.wait_dma2 semaphore(%run_scoped3A_111 : memref<!tpu.dma_semaphore, #tpu.memory_space<semaphore_mem>>) src(%dma_wait3A_147 : memref<128x128xf32, #tpu.memory_space<vmem>>) dst(%dma_wait3A_140 : memref<128x128xf32, #tpu.memory_space<hbm>>)
      tpu.yield
    }) : () -> ()
    %add3A_93 = arith.constant 256 : i32
    %add3A_94 = arith.addi %mul3A_0, %add3A_93 : i32
    %run_scoped3A_95 = arith.constant 0 : i32
    "tpu.region"() ({
      %run_scoped3A_111 = tpu.sem_alloc : memref<!tpu.dma_semaphore, #tpu.memory_space<semaphore_mem>>
      %dma_start3A_112 = arith.constant 0 : i32
      %dma_start3A_113 = arith.constant 0 : i32
      %dma_start3A_114 = tpu.memref_slice %arg10[%run_scoped3A_95, %dma_start3A_112, %dma_start3A_113] : memref<2x128x128xf32, #tpu.memory_space<vmem>> -> memref<1x128x128xf32, #tpu.memory_space<vmem>>
      %dma_start3A_115 = tpu.memref_squeeze %dma_start3A_114 : memref<1x128x128xf32, #tpu.memory_space<vmem>> -> memref<128x128xf32, #tpu.memory_space<vmem>>
      %dma_start3A_116 = arith.constant 0 : i32
      %dma_start3A_117 = arith.constant 0 : i32
      %dma_start3A_118 = tpu.memref_slice %dma_start3A_115[%dma_start3A_116, %dma_start3A_117] : memref<128x128xf32, #tpu.memory_space<vmem>> -> memref<128x128xf32, #tpu.memory_space<vmem>>
      %dma_start3A_119 = arith.constant 0 : i32
      %dma_start3A_120 = tpu.memref_slice %arg12[%add3A_94, %dma_start3A_119] : memref<10240x128xf32, #tpu.memory_space<vmem_shared>> -> memref<128x128xf32, #tpu.memory_space<vmem_shared>>
      %dma_start3A_121 = arith.constant 0 : i32
      %dma_start3A_122 = arith.constant 0 : i32
      %dma_start3A_123 = tpu.memref_slice %arg10[%run_scoped3A_95, %dma_start3A_121, %dma_start3A_122] : memref<2x128x128xf32, #tpu.memory_space<vmem>> -> memref<1x128x128xf32, #tpu.memory_space<vmem>>
      %dma_start3A_124 = tpu.memref_squeeze %dma_start3A_123 : memref<1x128x128xf32, #tpu.memory_space<vmem>> -> memref<128x128xf32, #tpu.memory_space<vmem>>
      %dma_start3A_125 = arith.constant 0 : i32
      %dma_start3A_126 = arith.constant 0 : i32
      %dma_start3A_127 = tpu.memref_slice %dma_start3A_124[%dma_start3A_125, %dma_start3A_126] : memref<128x128xf32, #tpu.memory_space<vmem>> -> memref<128x128xf32, #tpu.memory_space<vmem>>
      %dma_start3A_128 = arith.constant 0 : i32
      %dma_start3A_129 = tpu.memref_slice %arg12[%add3A_94, %dma_start3A_128] : memref<10240x128xf32, #tpu.memory_space<vmem_shared>> -> memref<128x128xf32, #tpu.memory_space<vmem_shared>>
      tpu.enqueue_dma source(%dma_start3A_129 : memref<128x128xf32, #tpu.memory_space<vmem_shared>>) target(%dma_start3A_127 : memref<128x128xf32, #tpu.memory_space<vmem>>) target_semaphore(%run_scoped3A_111 : memref<!tpu.dma_semaphore, #tpu.memory_space<semaphore_mem>>)
      %dma_wait3A_130 = arith.constant 0 : i32
      %dma_wait3A_131 = arith.constant 0 : i32
      %dma_wait3A_132 = tpu.memref_slice %arg10[%run_scoped3A_95, %dma_wait3A_130, %dma_wait3A_131] : memref<2x128x128xf32, #tpu.memory_space<vmem>> -> memref<1x128x128xf32, #tpu.memory_space<vmem>>
      %dma_wait3A_133 = tpu.memref_squeeze %dma_wait3A_132 : memref<1x128x128xf32, #tpu.memory_space<vmem>> -> memref<128x128xf32, #tpu.memory_space<vmem>>
      %dma_wait3A_134 = arith.constant 0 : i32
      %dma_wait3A_135 = arith.constant 0 : i32
      %dma_wait3A_136 = tpu.memref_slice %dma_wait3A_133[%dma_wait3A_134, %dma_wait3A_135] : memref<128x128xf32, #tpu.memory_space<vmem>> -> memref<128x128xf32, #tpu.memory_space<vmem>>
      %dma_wait3A_137 = arith.constant 0 : i32
      %dma_wait3A_138 = tpu.memref_slice %arg12[%add3A_94, %dma_wait3A_137] : memref<10240x128xf32, #tpu.memory_space<vmem_shared>> -> memref<128x128xf32, #tpu.memory_space<vmem_shared>>
      %dma_wait3A_139 = arith.constant 0 : i32
      %dma_wait3A_140 = arith.constant 0 : i32
      %dma_wait3A_141 = tpu.memref_slice %arg10[%run_scoped3A_95, %dma_wait3A_139, %dma_wait3A_140] : memref<2x128x128xf32, #tpu.memory_space<vmem>> -> memref<1x128x128xf32, #tpu.memory_space<vmem>>
      %dma_wait3A_142 = tpu.memref_squeeze %dma_wait3A_141 : memref<1x128x128xf32, #tpu.memory_space<vmem>> -> memref<128x128xf32, #tpu.memory_space<vmem>>
      %dma_wait3A_143 = arith.constant 0 : i32
      %dma_wait3A_144 = arith.constant 0 : i32
      %dma_wait3A_145 = tpu.memref_slice %dma_wait3A_142[%dma_wait3A_143, %dma_wait3A_144] : memref<128x128xf32, #tpu.memory_space<vmem>> -> memref<128x128xf32, #tpu.memory_space<vmem>>
      %dma_wait3A_146 = arith.constant 0 : i32
      %dma_wait3A_147 = tpu.memref_slice %arg12[%add3A_94, %dma_wait3A_146] : memref<10240x128xf32, #tpu.memory_space<vmem_shared>> -> memref<128x128xf32, #tpu.memory_space<vmem_shared>>
      tpu.wait_dma2 semaphore(%run_scoped3A_111 : memref<!tpu.dma_semaphore, #tpu.memory_space<semaphore_mem>>) src(%dma_wait3A_147 : memref<128x128xf32, #tpu.memory_space<vmem_shared>>) dst(%dma_wait3A_145 : memref<128x128xf32, #tpu.memory_space<vmem>>)
      tpu.yield
    }) : () -> ()
    %add3A_96 = arith.constant 256 : i32
    %add3A_97 = arith.addi %add3A, %add3A_96 : i32
    %run_scoped3A_98 = arith.constant 0 : i32
    "tpu.region"() ({
      %run_scoped3A_111 = tpu.sem_alloc : memref<!tpu.dma_semaphore, #tpu.memory_space<semaphore_mem>>
      %dma_start3A_112 = arith.constant 0 : i32
      %dma_start3A_113 = arith.constant 0 : i32
      %dma_start3A_114 = tpu.memref_slice %arg10[%run_scoped3A_98, %dma_start3A_112, %dma_start3A_113] : memref<2x128x128xf32, #tpu.memory_space<vmem>> -> memref<1x128x128xf32, #tpu.memory_space<vmem>>
      %dma_start3A_115 = tpu.memref_squeeze %dma_start3A_114 : memref<1x128x128xf32, #tpu.memory_space<vmem>> -> memref<128x128xf32, #tpu.memory_space<vmem>>
      %dma_start3A_116 = arith.constant 0 : i32
      %dma_start3A_117 = arith.constant 0 : i32
      %dma_start3A_118 = tpu.memref_slice %dma_start3A_115[%dma_start3A_116, %dma_start3A_117] : memref<128x128xf32, #tpu.memory_space<vmem>> -> memref<128x128xf32, #tpu.memory_space<vmem>>
      %dma_start3A_119 = arith.constant 0 : i32
      %dma_start3A_120 = tpu.memref_slice %arg6[%add3A_97, %dma_start3A_119] : memref<20480x128xf32, #tpu.memory_space<hbm>> -> memref<128x128xf32, #tpu.memory_space<hbm>>
      %dma_start3A_121 = arith.constant 0 : i32
      %dma_start3A_122 = tpu.memref_slice %arg6[%add3A_97, %dma_start3A_121] : memref<20480x128xf32, #tpu.memory_space<hbm>> -> memref<128x128xf32, #tpu.memory_space<hbm>>
      %dma_start3A_123 = arith.constant 0 : i32
      %dma_start3A_124 = arith.constant 0 : i32
      %dma_start3A_125 = tpu.memref_slice %arg10[%run_scoped3A_98, %dma_start3A_123, %dma_start3A_124] : memref<2x128x128xf32, #tpu.memory_space<vmem>> -> memref<1x128x128xf32, #tpu.memory_space<vmem>>
      %dma_start3A_126 = tpu.memref_squeeze %dma_start3A_125 : memref<1x128x128xf32, #tpu.memory_space<vmem>> -> memref<128x128xf32, #tpu.memory_space<vmem>>
      %dma_start3A_127 = arith.constant 0 : i32
      %dma_start3A_128 = arith.constant 0 : i32
      %dma_start3A_129 = tpu.memref_slice %dma_start3A_126[%dma_start3A_127, %dma_start3A_128] : memref<128x128xf32, #tpu.memory_space<vmem>> -> memref<128x128xf32, #tpu.memory_space<vmem>>
      tpu.enqueue_dma source(%dma_start3A_129 : memref<128x128xf32, #tpu.memory_space<vmem>>) target(%dma_start3A_122 : memref<128x128xf32, #tpu.memory_space<hbm>>) target_semaphore(%run_scoped3A_111 : memref<!tpu.dma_semaphore, #tpu.memory_space<semaphore_mem>>)
      %dma_wait3A_130 = arith.constant 0 : i32
      %dma_wait3A_131 = arith.constant 0 : i32
      %dma_wait3A_132 = tpu.memref_slice %arg10[%run_scoped3A_98, %dma_wait3A_130, %dma_wait3A_131] : memref<2x128x128xf32, #tpu.memory_space<vmem>> -> memref<1x128x128xf32, #tpu.memory_space<vmem>>
      %dma_wait3A_133 = tpu.memref_squeeze %dma_wait3A_132 : memref<1x128x128xf32, #tpu.memory_space<vmem>> -> memref<128x128xf32, #tpu.memory_space<vmem>>
      %dma_wait3A_134 = arith.constant 0 : i32
      %dma_wait3A_135 = arith.constant 0 : i32
      %dma_wait3A_136 = tpu.memref_slice %dma_wait3A_133[%dma_wait3A_134, %dma_wait3A_135] : memref<128x128xf32, #tpu.memory_space<vmem>> -> memref<128x128xf32, #tpu.memory_space<vmem>>
      %dma_wait3A_137 = arith.constant 0 : i32
      %dma_wait3A_138 = tpu.memref_slice %arg6[%add3A_97, %dma_wait3A_137] : memref<20480x128xf32, #tpu.memory_space<hbm>> -> memref<128x128xf32, #tpu.memory_space<hbm>>
      %dma_wait3A_139 = arith.constant 0 : i32
      %dma_wait3A_140 = tpu.memref_slice %arg6[%add3A_97, %dma_wait3A_139] : memref<20480x128xf32, #tpu.memory_space<hbm>> -> memref<128x128xf32, #tpu.memory_space<hbm>>
      %dma_wait3A_141 = arith.constant 0 : i32
      %dma_wait3A_142 = arith.constant 0 : i32
      %dma_wait3A_143 = tpu.memref_slice %arg10[%run_scoped3A_98, %dma_wait3A_141, %dma_wait3A_142] : memref<2x128x128xf32, #tpu.memory_space<vmem>> -> memref<1x128x128xf32, #tpu.memory_space<vmem>>
      %dma_wait3A_144 = tpu.memref_squeeze %dma_wait3A_143 : memref<1x128x128xf32, #tpu.memory_space<vmem>> -> memref<128x128xf32, #tpu.memory_space<vmem>>
      %dma_wait3A_145 = arith.constant 0 : i32
      %dma_wait3A_146 = arith.constant 0 : i32
      %dma_wait3A_147 = tpu.memref_slice %dma_wait3A_144[%dma_wait3A_145, %dma_wait3A_146] : memref<128x128xf32, #tpu.memory_space<vmem>> -> memref<128x128xf32, #tpu.memory_space<vmem>>
      tpu.wait_dma2 semaphore(%run_scoped3A_111 : memref<!tpu.dma_semaphore, #tpu.memory_space<semaphore_mem>>) src(%dma_wait3A_147 : memref<128x128xf32, #tpu.memory_space<vmem>>) dst(%dma_wait3A_140 : memref<128x128xf32, #tpu.memory_space<hbm>>)
      tpu.yield
    }) : () -> ()
    %add3A_99 = arith.constant 384 : i32
    %add3A_100 = arith.addi %mul3A_0, %add3A_99 : i32
    %run_scoped3A_101 = arith.constant 0 : i32
    "tpu.region"() ({
      %run_scoped3A_111 = tpu.sem_alloc : memref<!tpu.dma_semaphore, #tpu.memory_space<semaphore_mem>>
      %dma_start3A_112 = arith.constant 0 : i32
      %dma_start3A_113 = arith.constant 0 : i32
      %dma_start3A_114 = tpu.memref_slice %arg10[%run_scoped3A_101, %dma_start3A_112, %dma_start3A_113] : memref<2x128x128xf32, #tpu.memory_space<vmem>> -> memref<1x128x128xf32, #tpu.memory_space<vmem>>
      %dma_start3A_115 = tpu.memref_squeeze %dma_start3A_114 : memref<1x128x128xf32, #tpu.memory_space<vmem>> -> memref<128x128xf32, #tpu.memory_space<vmem>>
      %dma_start3A_116 = arith.constant 0 : i32
      %dma_start3A_117 = arith.constant 0 : i32
      %dma_start3A_118 = tpu.memref_slice %dma_start3A_115[%dma_start3A_116, %dma_start3A_117] : memref<128x128xf32, #tpu.memory_space<vmem>> -> memref<128x128xf32, #tpu.memory_space<vmem>>
      %dma_start3A_119 = arith.constant 0 : i32
      %dma_start3A_120 = tpu.memref_slice %arg12[%add3A_100, %dma_start3A_119] : memref<10240x128xf32, #tpu.memory_space<vmem_shared>> -> memref<128x128xf32, #tpu.memory_space<vmem_shared>>
      %dma_start3A_121 = arith.constant 0 : i32
      %dma_start3A_122 = arith.constant 0 : i32
      %dma_start3A_123 = tpu.memref_slice %arg10[%run_scoped3A_101, %dma_start3A_121, %dma_start3A_122] : memref<2x128x128xf32, #tpu.memory_space<vmem>> -> memref<1x128x128xf32, #tpu.memory_space<vmem>>
      %dma_start3A_124 = tpu.memref_squeeze %dma_start3A_123 : memref<1x128x128xf32, #tpu.memory_space<vmem>> -> memref<128x128xf32, #tpu.memory_space<vmem>>
      %dma_start3A_125 = arith.constant 0 : i32
      %dma_start3A_126 = arith.constant 0 : i32
      %dma_start3A_127 = tpu.memref_slice %dma_start3A_124[%dma_start3A_125, %dma_start3A_126] : memref<128x128xf32, #tpu.memory_space<vmem>> -> memref<128x128xf32, #tpu.memory_space<vmem>>
      %dma_start3A_128 = arith.constant 0 : i32
      %dma_start3A_129 = tpu.memref_slice %arg12[%add3A_100, %dma_start3A_128] : memref<10240x128xf32, #tpu.memory_space<vmem_shared>> -> memref<128x128xf32, #tpu.memory_space<vmem_shared>>
      tpu.enqueue_dma source(%dma_start3A_129 : memref<128x128xf32, #tpu.memory_space<vmem_shared>>) target(%dma_start3A_127 : memref<128x128xf32, #tpu.memory_space<vmem>>) target_semaphore(%run_scoped3A_111 : memref<!tpu.dma_semaphore, #tpu.memory_space<semaphore_mem>>)
      %dma_wait3A_130 = arith.constant 0 : i32
      %dma_wait3A_131 = arith.constant 0 : i32
      %dma_wait3A_132 = tpu.memref_slice %arg10[%run_scoped3A_101, %dma_wait3A_130, %dma_wait3A_131] : memref<2x128x128xf32, #tpu.memory_space<vmem>> -> memref<1x128x128xf32, #tpu.memory_space<vmem>>
      %dma_wait3A_133 = tpu.memref_squeeze %dma_wait3A_132 : memref<1x128x128xf32, #tpu.memory_space<vmem>> -> memref<128x128xf32, #tpu.memory_space<vmem>>
      %dma_wait3A_134 = arith.constant 0 : i32
      %dma_wait3A_135 = arith.constant 0 : i32
      %dma_wait3A_136 = tpu.memref_slice %dma_wait3A_133[%dma_wait3A_134, %dma_wait3A_135] : memref<128x128xf32, #tpu.memory_space<vmem>> -> memref<128x128xf32, #tpu.memory_space<vmem>>
      %dma_wait3A_137 = arith.constant 0 : i32
      %dma_wait3A_138 = tpu.memref_slice %arg12[%add3A_100, %dma_wait3A_137] : memref<10240x128xf32, #tpu.memory_space<vmem_shared>> -> memref<128x128xf32, #tpu.memory_space<vmem_shared>>
      %dma_wait3A_139 = arith.constant 0 : i32
      %dma_wait3A_140 = arith.constant 0 : i32
      %dma_wait3A_141 = tpu.memref_slice %arg10[%run_scoped3A_101, %dma_wait3A_139, %dma_wait3A_140] : memref<2x128x128xf32, #tpu.memory_space<vmem>> -> memref<1x128x128xf32, #tpu.memory_space<vmem>>
      %dma_wait3A_142 = tpu.memref_squeeze %dma_wait3A_141 : memref<1x128x128xf32, #tpu.memory_space<vmem>> -> memref<128x128xf32, #tpu.memory_space<vmem>>
      %dma_wait3A_143 = arith.constant 0 : i32
      %dma_wait3A_144 = arith.constant 0 : i32
      %dma_wait3A_145 = tpu.memref_slice %dma_wait3A_142[%dma_wait3A_143, %dma_wait3A_144] : memref<128x128xf32, #tpu.memory_space<vmem>> -> memref<128x128xf32, #tpu.memory_space<vmem>>
      %dma_wait3A_146 = arith.constant 0 : i32
      %dma_wait3A_147 = tpu.memref_slice %arg12[%add3A_100, %dma_wait3A_146] : memref<10240x128xf32, #tpu.memory_space<vmem_shared>> -> memref<128x128xf32, #tpu.memory_space<vmem_shared>>
      tpu.wait_dma2 semaphore(%run_scoped3A_111 : memref<!tpu.dma_semaphore, #tpu.memory_space<semaphore_mem>>) src(%dma_wait3A_147 : memref<128x128xf32, #tpu.memory_space<vmem_shared>>) dst(%dma_wait3A_145 : memref<128x128xf32, #tpu.memory_space<vmem>>)
      tpu.yield
    }) : () -> ()
    %add3A_102 = arith.constant 384 : i32
    %add3A_103 = arith.addi %add3A, %add3A_102 : i32
    %run_scoped3A_104 = arith.constant 0 : i32
    "tpu.region"() ({
      %run_scoped3A_111 = tpu.sem_alloc : memref<!tpu.dma_semaphore, #tpu.memory_space<semaphore_mem>>
      %dma_start3A_112 = arith.constant 0 : i32
      %dma_start3A_113 = arith.constant 0 : i32
      %dma_start3A_114 = tpu.memref_slice %arg10[%run_scoped3A_104, %dma_start3A_112, %dma_start3A_113] : memref<2x128x128xf32, #tpu.memory_space<vmem>> -> memref<1x128x128xf32, #tpu.memory_space<vmem>>
      %dma_start3A_115 = tpu.memref_squeeze %dma_start3A_114 : memref<1x128x128xf32, #tpu.memory_space<vmem>> -> memref<128x128xf32, #tpu.memory_space<vmem>>
      %dma_start3A_116 = arith.constant 0 : i32
      %dma_start3A_117 = arith.constant 0 : i32
      %dma_start3A_118 = tpu.memref_slice %dma_start3A_115[%dma_start3A_116, %dma_start3A_117] : memref<128x128xf32, #tpu.memory_space<vmem>> -> memref<128x128xf32, #tpu.memory_space<vmem>>
      %dma_start3A_119 = arith.constant 0 : i32
      %dma_start3A_120 = tpu.memref_slice %arg6[%add3A_103, %dma_start3A_119] : memref<20480x128xf32, #tpu.memory_space<hbm>> -> memref<128x128xf32, #tpu.memory_space<hbm>>
      %dma_start3A_121 = arith.constant 0 : i32
      %dma_start3A_122 = tpu.memref_slice %arg6[%add3A_103, %dma_start3A_121] : memref<20480x128xf32, #tpu.memory_space<hbm>> -> memref<128x128xf32, #tpu.memory_space<hbm>>
      %dma_start3A_123 = arith.constant 0 : i32
      %dma_start3A_124 = arith.constant 0 : i32
      %dma_start3A_125 = tpu.memref_slice %arg10[%run_scoped3A_104, %dma_start3A_123, %dma_start3A_124] : memref<2x128x128xf32, #tpu.memory_space<vmem>> -> memref<1x128x128xf32, #tpu.memory_space<vmem>>
      %dma_start3A_126 = tpu.memref_squeeze %dma_start3A_125 : memref<1x128x128xf32, #tpu.memory_space<vmem>> -> memref<128x128xf32, #tpu.memory_space<vmem>>
      %dma_start3A_127 = arith.constant 0 : i32
      %dma_start3A_128 = arith.constant 0 : i32
      %dma_start3A_129 = tpu.memref_slice %dma_start3A_126[%dma_start3A_127, %dma_start3A_128] : memref<128x128xf32, #tpu.memory_space<vmem>> -> memref<128x128xf32, #tpu.memory_space<vmem>>
      tpu.enqueue_dma source(%dma_start3A_129 : memref<128x128xf32, #tpu.memory_space<vmem>>) target(%dma_start3A_122 : memref<128x128xf32, #tpu.memory_space<hbm>>) target_semaphore(%run_scoped3A_111 : memref<!tpu.dma_semaphore, #tpu.memory_space<semaphore_mem>>)
      %dma_wait3A_130 = arith.constant 0 : i32
      %dma_wait3A_131 = arith.constant 0 : i32
      %dma_wait3A_132 = tpu.memref_slice %arg10[%run_scoped3A_104, %dma_wait3A_130, %dma_wait3A_131] : memref<2x128x128xf32, #tpu.memory_space<vmem>> -> memref<1x128x128xf32, #tpu.memory_space<vmem>>
      %dma_wait3A_133 = tpu.memref_squeeze %dma_wait3A_132 : memref<1x128x128xf32, #tpu.memory_space<vmem>> -> memref<128x128xf32, #tpu.memory_space<vmem>>
      %dma_wait3A_134 = arith.constant 0 : i32
      %dma_wait3A_135 = arith.constant 0 : i32
      %dma_wait3A_136 = tpu.memref_slice %dma_wait3A_133[%dma_wait3A_134, %dma_wait3A_135] : memref<128x128xf32, #tpu.memory_space<vmem>> -> memref<128x128xf32, #tpu.memory_space<vmem>>
      %dma_wait3A_137 = arith.constant 0 : i32
      %dma_wait3A_138 = tpu.memref_slice %arg6[%add3A_103, %dma_wait3A_137] : memref<20480x128xf32, #tpu.memory_space<hbm>> -> memref<128x128xf32, #tpu.memory_space<hbm>>
      %dma_wait3A_139 = arith.constant 0 : i32
      %dma_wait3A_140 = tpu.memref_slice %arg6[%add3A_103, %dma_wait3A_139] : memref<20480x128xf32, #tpu.memory_space<hbm>> -> memref<128x128xf32, #tpu.memory_space<hbm>>
      %dma_wait3A_141 = arith.constant 0 : i32
      %dma_wait3A_142 = arith.constant 0 : i32
      %dma_wait3A_143 = tpu.memref_slice %arg10[%run_scoped3A_104, %dma_wait3A_141, %dma_wait3A_142] : memref<2x128x128xf32, #tpu.memory_space<vmem>> -> memref<1x128x128xf32, #tpu.memory_space<vmem>>
      %dma_wait3A_144 = tpu.memref_squeeze %dma_wait3A_143 : memref<1x128x128xf32, #tpu.memory_space<vmem>> -> memref<128x128xf32, #tpu.memory_space<vmem>>
      %dma_wait3A_145 = arith.constant 0 : i32
      %dma_wait3A_146 = arith.constant 0 : i32
      %dma_wait3A_147 = tpu.memref_slice %dma_wait3A_144[%dma_wait3A_145, %dma_wait3A_146] : memref<128x128xf32, #tpu.memory_space<vmem>> -> memref<128x128xf32, #tpu.memory_space<vmem>>
      tpu.wait_dma2 semaphore(%run_scoped3A_111 : memref<!tpu.dma_semaphore, #tpu.memory_space<semaphore_mem>>) src(%dma_wait3A_147 : memref<128x128xf32, #tpu.memory_space<vmem>>) dst(%dma_wait3A_140 : memref<128x128xf32, #tpu.memory_space<hbm>>)
      tpu.yield
    }) : () -> ()
    %add3A_105 = arith.constant 512 : i32
    %add3A_106 = arith.addi %mul3A_0, %add3A_105 : i32
    %run_scoped3A_107 = arith.constant 0 : i32
    "tpu.region"() ({
      %run_scoped3A_111 = tpu.sem_alloc : memref<!tpu.dma_semaphore, #tpu.memory_space<semaphore_mem>>
      %dma_start3A_112 = arith.constant 0 : i32
      %dma_start3A_113 = arith.constant 0 : i32
      %dma_start3A_114 = tpu.memref_slice %arg10[%run_scoped3A_107, %dma_start3A_112, %dma_start3A_113] : memref<2x128x128xf32, #tpu.memory_space<vmem>> -> memref<1x128x128xf32, #tpu.memory_space<vmem>>
      %dma_start3A_115 = tpu.memref_squeeze %dma_start3A_114 : memref<1x128x128xf32, #tpu.memory_space<vmem>> -> memref<128x128xf32, #tpu.memory_space<vmem>>
      %dma_start3A_116 = arith.constant 0 : i32
      %dma_start3A_117 = arith.constant 0 : i32
      %dma_start3A_118 = tpu.memref_slice %dma_start3A_115[%dma_start3A_116, %dma_start3A_117] : memref<128x128xf32, #tpu.memory_space<vmem>> -> memref<128x128xf32, #tpu.memory_space<vmem>>
      %dma_start3A_119 = arith.constant 0 : i32
      %dma_start3A_120 = tpu.memref_slice %arg12[%add3A_106, %dma_start3A_119] : memref<10240x128xf32, #tpu.memory_space<vmem_shared>> -> memref<128x128xf32, #tpu.memory_space<vmem_shared>>
      %dma_start3A_121 = arith.constant 0 : i32
      %dma_start3A_122 = arith.constant 0 : i32
      %dma_start3A_123 = tpu.memref_slice %arg10[%run_scoped3A_107, %dma_start3A_121, %dma_start3A_122] : memref<2x128x128xf32, #tpu.memory_space<vmem>> -> memref<1x128x128xf32, #tpu.memory_space<vmem>>
      %dma_start3A_124 = tpu.memref_squeeze %dma_start3A_123 : memref<1x128x128xf32, #tpu.memory_space<vmem>> -> memref<128x128xf32, #tpu.memory_space<vmem>>
      %dma_start3A_125 = arith.constant 0 : i32
      %dma_start3A_126 = arith.constant 0 : i32
      %dma_start3A_127 = tpu.memref_slice %dma_start3A_124[%dma_start3A_125, %dma_start3A_126] : memref<128x128xf32, #tpu.memory_space<vmem>> -> memref<128x128xf32, #tpu.memory_space<vmem>>
      %dma_start3A_128 = arith.constant 0 : i32
      %dma_start3A_129 = tpu.memref_slice %arg12[%add3A_106, %dma_start3A_128] : memref<10240x128xf32, #tpu.memory_space<vmem_shared>> -> memref<128x128xf32, #tpu.memory_space<vmem_shared>>
      tpu.enqueue_dma source(%dma_start3A_129 : memref<128x128xf32, #tpu.memory_space<vmem_shared>>) target(%dma_start3A_127 : memref<128x128xf32, #tpu.memory_space<vmem>>) target_semaphore(%run_scoped3A_111 : memref<!tpu.dma_semaphore, #tpu.memory_space<semaphore_mem>>)
      %dma_wait3A_130 = arith.constant 0 : i32
      %dma_wait3A_131 = arith.constant 0 : i32
      %dma_wait3A_132 = tpu.memref_slice %arg10[%run_scoped3A_107, %dma_wait3A_130, %dma_wait3A_131] : memref<2x128x128xf32, #tpu.memory_space<vmem>> -> memref<1x128x128xf32, #tpu.memory_space<vmem>>
      %dma_wait3A_133 = tpu.memref_squeeze %dma_wait3A_132 : memref<1x128x128xf32, #tpu.memory_space<vmem>> -> memref<128x128xf32, #tpu.memory_space<vmem>>
      %dma_wait3A_134 = arith.constant 0 : i32
      %dma_wait3A_135 = arith.constant 0 : i32
      %dma_wait3A_136 = tpu.memref_slice %dma_wait3A_133[%dma_wait3A_134, %dma_wait3A_135] : memref<128x128xf32, #tpu.memory_space<vmem>> -> memref<128x128xf32, #tpu.memory_space<vmem>>
      %dma_wait3A_137 = arith.constant 0 : i32
      %dma_wait3A_138 = tpu.memref_slice %arg12[%add3A_106, %dma_wait3A_137] : memref<10240x128xf32, #tpu.memory_space<vmem_shared>> -> memref<128x128xf32, #tpu.memory_space<vmem_shared>>
      %dma_wait3A_139 = arith.constant 0 : i32
      %dma_wait3A_140 = arith.constant 0 : i32
      %dma_wait3A_141 = tpu.memref_slice %arg10[%run_scoped3A_107, %dma_wait3A_139, %dma_wait3A_140] : memref<2x128x128xf32, #tpu.memory_space<vmem>> -> memref<1x128x128xf32, #tpu.memory_space<vmem>>
      %dma_wait3A_142 = tpu.memref_squeeze %dma_wait3A_141 : memref<1x128x128xf32, #tpu.memory_space<vmem>> -> memref<128x128xf32, #tpu.memory_space<vmem>>
      %dma_wait3A_143 = arith.constant 0 : i32
      %dma_wait3A_144 = arith.constant 0 : i32
      %dma_wait3A_145 = tpu.memref_slice %dma_wait3A_142[%dma_wait3A_143, %dma_wait3A_144] : memref<128x128xf32, #tpu.memory_space<vmem>> -> memref<128x128xf32, #tpu.memory_space<vmem>>
      %dma_wait3A_146 = arith.constant 0 : i32
      %dma_wait3A_147 = tpu.memref_slice %arg12[%add3A_106, %dma_wait3A_146] : memref<10240x128xf32, #tpu.memory_space<vmem_shared>> -> memref<128x128xf32, #tpu.memory_space<vmem_shared>>
      tpu.wait_dma2 semaphore(%run_scoped3A_111 : memref<!tpu.dma_semaphore, #tpu.memory_space<semaphore_mem>>) src(%dma_wait3A_147 : memref<128x128xf32, #tpu.memory_space<vmem_shared>>) dst(%dma_wait3A_145 : memref<128x128xf32, #tpu.memory_space<vmem>>)
      tpu.yield
    }) : () -> ()
    %add3A_108 = arith.constant 512 : i32
    %add3A_109 = arith.addi %add3A, %add3A_108 : i32
    %run_scoped3A_110 = arith.constant 0 : i32
    "tpu.region"() ({
      %run_scoped3A_111 = tpu.sem_alloc : memref<!tpu.dma_semaphore, #tpu.memory_space<semaphore_mem>>
      %dma_start3A_112 = arith.constant 0 : i32
      %dma_start3A_113 = arith.constant 0 : i32
      %dma_start3A_114 = tpu.memref_slice %arg10[%run_scoped3A_110, %dma_start3A_112, %dma_start3A_113] : memref<2x128x128xf32, #tpu.memory_space<vmem>> -> memref<1x128x128xf32, #tpu.memory_space<vmem>>
      %dma_start3A_115 = tpu.memref_squeeze %dma_start3A_114 : memref<1x128x128xf32, #tpu.memory_space<vmem>> -> memref<128x128xf32, #tpu.memory_space<vmem>>
      %dma_start3A_116 = arith.constant 0 : i32
      %dma_start3A_117 = arith.constant 0 : i32
      %dma_start3A_118 = tpu.memref_slice %dma_start3A_115[%dma_start3A_116, %dma_start3A_117] : memref<128x128xf32, #tpu.memory_space<vmem>> -> memref<128x128xf32, #tpu.memory_space<vmem>>
      %dma_start3A_119 = arith.constant 0 : i32
      %dma_start3A_120 = tpu.memref_slice %arg6[%add3A_109, %dma_start3A_119] : memref<20480x128xf32, #tpu.memory_space<hbm>> -> memref<128x128xf32, #tpu.memory_space<hbm>>
      %dma_start3A_121 = arith.constant 0 : i32
      %dma_start3A_122 = tpu.memref_slice %arg6[%add3A_109, %dma_start3A_121] : memref<20480x128xf32, #tpu.memory_space<hbm>> -> memref<128x128xf32, #tpu.memory_space<hbm>>
      %dma_start3A_123 = arith.constant 0 : i32
      %dma_start3A_124 = arith.constant 0 : i32
      %dma_start3A_125 = tpu.memref_slice %arg10[%run_scoped3A_110, %dma_start3A_123, %dma_start3A_124] : memref<2x128x128xf32, #tpu.memory_space<vmem>> -> memref<1x128x128xf32, #tpu.memory_space<vmem>>
      %dma_start3A_126 = tpu.memref_squeeze %dma_start3A_125 : memref<1x128x128xf32, #tpu.memory_space<vmem>> -> memref<128x128xf32, #tpu.memory_space<vmem>>
      %dma_start3A_127 = arith.constant 0 : i32
      %dma_start3A_128 = arith.constant 0 : i32
      %dma_start3A_129 = tpu.memref_slice %dma_start3A_126[%dma_start3A_127, %dma_start3A_128] : memref<128x128xf32, #tpu.memory_space<vmem>> -> memref<128x128xf32, #tpu.memory_space<vmem>>
      tpu.enqueue_dma source(%dma_start3A_129 : memref<128x128xf32, #tpu.memory_space<vmem>>) target(%dma_start3A_122 : memref<128x128xf32, #tpu.memory_space<hbm>>) target_semaphore(%run_scoped3A_111 : memref<!tpu.dma_semaphore, #tpu.memory_space<semaphore_mem>>)
      %dma_wait3A_130 = arith.constant 0 : i32
      %dma_wait3A_131 = arith.constant 0 : i32
      %dma_wait3A_132 = tpu.memref_slice %arg10[%run_scoped3A_110, %dma_wait3A_130, %dma_wait3A_131] : memref<2x128x128xf32, #tpu.memory_space<vmem>> -> memref<1x128x128xf32, #tpu.memory_space<vmem>>
      %dma_wait3A_133 = tpu.memref_squeeze %dma_wait3A_132 : memref<1x128x128xf32, #tpu.memory_space<vmem>> -> memref<128x128xf32, #tpu.memory_space<vmem>>
      %dma_wait3A_134 = arith.constant 0 : i32
      %dma_wait3A_135 = arith.constant 0 : i32
      %dma_wait3A_136 = tpu.memref_slice %dma_wait3A_133[%dma_wait3A_134, %dma_wait3A_135] : memref<128x128xf32, #tpu.memory_space<vmem>> -> memref<128x128xf32, #tpu.memory_space<vmem>>
      %dma_wait3A_137 = arith.constant 0 : i32
      %dma_wait3A_138 = tpu.memref_slice %arg6[%add3A_109, %dma_wait3A_137] : memref<20480x128xf32, #tpu.memory_space<hbm>> -> memref<128x128xf32, #tpu.memory_space<hbm>>
      %dma_wait3A_139 = arith.constant 0 : i32
      %dma_wait3A_140 = tpu.memref_slice %arg6[%add3A_109, %dma_wait3A_139] : memref<20480x128xf32, #tpu.memory_space<hbm>> -> memref<128x128xf32, #tpu.memory_space<hbm>>
      %dma_wait3A_141 = arith.constant 0 : i32
      %dma_wait3A_142 = arith.constant 0 : i32
      %dma_wait3A_143 = tpu.memref_slice %arg10[%run_scoped3A_110, %dma_wait3A_141, %dma_wait3A_142] : memref<2x128x128xf32, #tpu.memory_space<vmem>> -> memref<1x128x128xf32, #tpu.memory_space<vmem>>
      %dma_wait3A_144 = tpu.memref_squeeze %dma_wait3A_143 : memref<1x128x128xf32, #tpu.memory_space<vmem>> -> memref<128x128xf32, #tpu.memory_space<vmem>>
      %dma_wait3A_145 = arith.constant 0 : i32
      %dma_wait3A_146 = arith.constant 0 : i32
      %dma_wait3A_147 = tpu.memref_slice %dma_wait3A_144[%dma_wait3A_145, %dma_wait3A_146] : memref<128x128xf32, #tpu.memory_space<vmem>> -> memref<128x128xf32, #tpu.memory_space<vmem>>
      tpu.wait_dma2 semaphore(%run_scoped3A_111 : memref<!tpu.dma_semaphore, #tpu.memory_space<semaphore_mem>>) src(%dma_wait3A_147 : memref<128x128xf32, #tpu.memory_space<vmem>>) dst(%dma_wait3A_140 : memref<128x128xf32, #tpu.memory_space<hbm>>)
      tpu.yield
    }) : () -> ()
    return
  }
}

module attributes {stable_mosaic.version = 14 : i64} {
  func.func @body(%arg0: i32, %arg1: memref<1024x256xf32, #tpu.memory_space<vmem>>, %arg2: memref<1x1024x128xf32, #tpu.memory_space<vmem>>, %arg3: memref<1x1024x128xf32, #tpu.memory_space<vmem>>, %arg4: memref<16x1024xf32, #tpu.memory_space<vmem>>, %arg5: memref<128x512xf32, #tpu.memory_space<vmem>>, %arg6: memref<128x512xf32, #tpu.memory_space<vmem>>, %arg7: memref<256x512xf32, #tpu.memory_space<vmem>>, %arg8: memref<1x512xf32, #tpu.memory_space<vmem>>, %arg9: memref<1024x512xf32, #tpu.memory_space<vmem>>) attributes {dimension_semantics = [#tpu.dimension_semantics<arbitrary>], iteration_bounds = array<i64: 10>, scalar_prefetch = 0 : i64, scratch_operands = 0 : i64, tpu.core_type = #tpu.core_type<tc>, window_params = [{transform_indices = @transform_0, window_bounds = array<i64: 1024, 256>}, {transform_indices = @transform_1, window_bounds = array<i64: 1, 1024, 128>}, {transform_indices = @transform_2, window_bounds = array<i64: 1, 1024, 128>}, {transform_indices = @transform_3, window_bounds = array<i64: 16, 1024>}, {pipeline_mode = #tpu.pipeline_mode<synchronous>, transform_indices = @transform_4, window_bounds = array<i64: 128, 512>}, {pipeline_mode = #tpu.pipeline_mode<synchronous>, transform_indices = @transform_5, window_bounds = array<i64: 128, 512>}, {pipeline_mode = #tpu.pipeline_mode<synchronous>, transform_indices = @transform_6, window_bounds = array<i64: 256, 512>}, {pipeline_mode = #tpu.pipeline_mode<synchronous>, transform_indices = @transform_7, window_bounds = array<i64: 1, 512>}, {transform_indices = @transform_8, window_bounds = array<i64: 1024, 512>}]} {
    %get3A = arith.constant 0 : index
    %get3A_0 = arith.constant 0 : index
    %get3A_1 = vector.load %arg4[%get3A, %get3A_0] : memref<16x1024xf32, #tpu.memory_space<vmem>>, vector<16x1024xf32>
    %broadcast_in_dim3A = arith.constant 1.000000e+00 : f32
    %broadcast_in_dim3A_2 = vector.broadcast %broadcast_in_dim3A : f32 to vector<16x1xf32>
    %dot_general3A = arith.constant dense<0.000000e+00> : vector<1024x1xf32>
    %dot_general3A_3 = tpu.matmul %get3A_1, %broadcast_in_dim3A_2, %dot_general3A {dimension_numbers = #tpu.dot_dimension_numbers<[0], [0], [1], [1], [0, 1, 1, 1], [], []>, transpose_lhs_hint = false} : vector<16x1024xf32>, vector<16x1xf32>, vector<1024x1xf32> -> vector<1024x1xf32>
    %max3A = arith.constant 1.000000e+00 : f32
    %max3A_4 = vector.broadcast %max3A : f32 to vector<1024x1xf32>
    %max3A_5 = arith.maximumf %dot_general3A_3, %max3A_4 : vector<1024x1xf32>
    %div3A = arith.constant 1.000000e+00 : f32
    %div3A_6 = vector.broadcast %div3A : f32 to vector<1024x1xf32>
    %div3A_7 = arith.divf %div3A_6, %max3A_5 : vector<1024x1xf32>
    %get3A_8 = arith.constant 0 : index
    %get3A_9 = arith.constant 0 : index
    %get3A_10 = arith.constant 0 : index
    %get3A_11 = vector.load %arg2[%get3A_8, %get3A_9, %get3A_10] : memref<1x1024x128xf32, #tpu.memory_space<vmem>>, vector<1x1024x128xf32>
    %get3A_12 = vector.shape_cast %get3A_11 : vector<1x1024x128xf32> to vector<1024x128xf32>
    %mul3A = vector.broadcast %div3A_7 : vector<1024x1xf32> to vector<1024x128xf32>
    %mul3A_13 = arith.mulf %get3A_12, %mul3A : vector<1024x128xf32>
    %get3A_14 = arith.constant 0 : index
    %get3A_15 = arith.constant 0 : index
    %get3A_16 = arith.constant 0 : index
    %get3A_17 = vector.load %arg3[%get3A_14, %get3A_15, %get3A_16] : memref<1x1024x128xf32, #tpu.memory_space<vmem>>, vector<1x1024x128xf32>
    %get3A_18 = vector.shape_cast %get3A_17 : vector<1x1024x128xf32> to vector<1024x128xf32>
    %mul3A_19 = vector.broadcast %div3A_7 : vector<1024x1xf32> to vector<1024x128xf32>
    %mul3A_20 = arith.mulf %get3A_18, %mul3A_19 : vector<1024x128xf32>
    %get3A_21 = arith.constant 0 : index
    %get3A_22 = arith.constant 0 : index
    %get3A_23 = vector.load %arg5[%get3A_21, %get3A_22] : memref<128x512xf32, #tpu.memory_space<vmem>>, vector<128x512xf32>
    %dot_general3A_24 = arith.constant dense<0.000000e+00> : vector<1024x512xf32>
    %dot_general3A_25 = tpu.matmul %mul3A_13, %get3A_23, %dot_general3A_24 {dimension_numbers = #tpu.dot_dimension_numbers<[1], [0], [0], [1], [0, 0, 1, 1], [], []>, transpose_lhs_hint = false} : vector<1024x128xf32>, vector<128x512xf32>, vector<1024x512xf32> -> vector<1024x512xf32>
    %get3A_26 = arith.constant 0 : index
    %get3A_27 = arith.constant 0 : index
    %get3A_28 = vector.load %arg6[%get3A_26, %get3A_27] : memref<128x512xf32, #tpu.memory_space<vmem>>, vector<128x512xf32>
    %dot_general3A_29 = arith.constant dense<0.000000e+00> : vector<1024x512xf32>
    %dot_general3A_30 = tpu.matmul %mul3A_20, %get3A_28, %dot_general3A_29 {dimension_numbers = #tpu.dot_dimension_numbers<[1], [0], [0], [1], [0, 0, 1, 1], [], []>, transpose_lhs_hint = false} : vector<1024x128xf32>, vector<128x512xf32>, vector<1024x512xf32> -> vector<1024x512xf32>
    %add3A = arith.addf %dot_general3A_25, %dot_general3A_30 : vector<1024x512xf32>
    %get3A_31 = arith.constant 0 : index
    %get3A_32 = arith.constant 0 : index
    %get3A_33 = vector.load %arg1[%get3A_31, %get3A_32] : memref<1024x256xf32, #tpu.memory_space<vmem>>, vector<1024x256xf32>
    %get3A_34 = arith.constant 0 : index
    %get3A_35 = arith.constant 0 : index
    %get3A_36 = vector.load %arg7[%get3A_34, %get3A_35] : memref<256x512xf32, #tpu.memory_space<vmem>>, vector<256x512xf32>
    %dot_general3A_37 = arith.constant dense<0.000000e+00> : vector<1024x512xf32>
    %dot_general3A_38 = tpu.matmul %get3A_33, %get3A_36, %dot_general3A_37 {dimension_numbers = #tpu.dot_dimension_numbers<[1], [0], [0], [1], [0, 0, 1, 1], [], []>, transpose_lhs_hint = false} : vector<1024x256xf32>, vector<256x512xf32>, vector<1024x512xf32> -> vector<1024x512xf32>
    %add3A_39 = arith.addf %add3A, %dot_general3A_38 : vector<1024x512xf32>
    %get3A_40 = arith.constant 0 : index
    %get3A_41 = arith.constant 0 : index
    %get3A_42 = vector.load %arg8[%get3A_40, %get3A_41] : memref<1x512xf32, #tpu.memory_space<vmem>>, vector<1x512xf32>
    %add3A_43 = vector.broadcast %get3A_42 : vector<1x512xf32> to vector<1024x512xf32>
    %add3A_44 = arith.addf %add3A_39, %add3A_43 : vector<1024x512xf32>
    %max3A_45 = arith.constant 0.000000e+00 : f32
    %max3A_46 = vector.broadcast %max3A_45 : f32 to vector<1024x512xf32>
    %max3A_47 = arith.maximumf %add3A_44, %max3A_46 : vector<1024x512xf32>
    %swap3A = arith.constant 0 : index
    %swap3A_48 = arith.constant 0 : index
    %swap3A_49 = vector.load %arg9[%swap3A, %swap3A_48] : memref<1024x512xf32, #tpu.memory_space<vmem>>, vector<1024x512xf32>
    tpu.vector_store %arg9[%swap3A, %swap3A_48], %max3A_47 {strides = array<i32>} : memref<1024x512xf32, #tpu.memory_space<vmem>>, vector<1024x512xf32>,
    return
  }
  func.func @transform_0(%arg0: i32) -> (i32, i32) {
    %c0_i32 = arith.constant 0 : i32
    %c0_i32_0 = arith.constant 0 : i32
    return %arg0, %c0_i32 : i32, i32
  }
  func.func @transform_1(%arg0: i32) -> (i32, i32, i32) {
    %c0_i32 = arith.constant 0 : i32
    %c0_i32_0 = arith.constant 0 : i32
    %c0_i32_1 = arith.constant 0 : i32
    return %c0_i32, %arg0, %c0_i32_0 : i32, i32, i32
  }
  func.func @transform_2(%arg0: i32) -> (i32, i32, i32) {
    %c1_i32 = arith.constant 1 : i32
    %c0_i32 = arith.constant 0 : i32
    %c0_i32_0 = arith.constant 0 : i32
    return %c1_i32, %arg0, %c0_i32 : i32, i32, i32
  }
  func.func @transform_3(%arg0: i32) -> (i32, i32) {
    %c0_i32 = arith.constant 0 : i32
    %c0_i32_0 = arith.constant 0 : i32
    return %c0_i32, %arg0 : i32, i32
  }
  func.func @transform_4(%arg0: i32) -> (i32, i32) {
    %c0_i32 = arith.constant 0 : i32
    %c0_i32_0 = arith.constant 0 : i32
    %c0_i32_1 = arith.constant 0 : i32
    return %c0_i32, %c0_i32_0 : i32, i32
  }
  func.func @transform_5(%arg0: i32) -> (i32, i32) {
    %c0_i32 = arith.constant 0 : i32
    %c0_i32_0 = arith.constant 0 : i32
    %c0_i32_1 = arith.constant 0 : i32
    return %c0_i32, %c0_i32_0 : i32, i32
  }
  func.func @transform_6(%arg0: i32) -> (i32, i32) {
    %c0_i32 = arith.constant 0 : i32
    %c0_i32_0 = arith.constant 0 : i32
    %c0_i32_1 = arith.constant 0 : i32
    return %c0_i32, %c0_i32_0 : i32, i32
  }
  func.func @transform_7(%arg0: i32) -> (i32, i32) {
    %c0_i32 = arith.constant 0 : i32
    %c0_i32_0 = arith.constant 0 : i32
    %c0_i32_1 = arith.constant 0 : i32
    return %c0_i32, %c0_i32_0 : i32, i32
  }
  func.func @transform_8(%arg0: i32) -> (i32, i32) {
    %c0_i32 = arith.constant 0 : i32
    %c0_i32_0 = arith.constant 0 : i32
    return %arg0, %c0_i32 : i32, i32
  }
}

</mosaic_0001>

<sc_bundles>
// kernel: kernel.4.cloned.1.call-start
scs
__scs_entry_jumppad:
0x0: {  	(pc) =	sbr.rel $0x88, $3  }
0x1: {  	(tag) =	ssettag $0x0;
	lr =	simm.s32 $0x1  }
0x2: {  	[smem:$0x3F9C] =	sst lr;
	_ =	strace $0xD0000000  }
0x3: {  	_ = 	snop  }
0x4: {  	_ = 	snop  }
0x5: {  	_ = 	snop  }
0x6: {  	_ = 	snop  }
0x7: {  	_ = 	snop  }
__scs_overlays_trampoline_lowered:
0x8: {  	[smem:$0x3FAB] =	sst s0  }
0x9: {  	[smem:$0x3FAC] =	sst s1  }
0xa: {  	[smem:$0x3FAD] =	sst s2  }
0xb: {  	[smem:$0x3FAE] =	sst s3  }
0xc: {  	[smem:$0x3FAF] =	sst s4  }
0xd: {  	[smem:$0x3FB0] =	sst s5  }
0xe: {  	[smem:$0x3FB1] =	sst s6  }
0xf: {  	[smem:$0x3FB2] =	sst s7  }
0x10: {  	[smem:$0x3FB3] =	sst s8  }
0x11: {  	[smem:$0x3FB4] =	sst s9;
	s0 =	simm.s32 @!p0 $0x0  }
0x12: {  	s1 =	sld [smem:$0x3F9A];
	s0 =	simm.s32 @p0 $0x1  }
0x13: {  	[smem:$0x3FB5] =	sst s0;
	s0 =	simm.s32 @!p1 $0x0  }
0x14: {  	s2 =	sld [smem:$0x3F99];
	s0 =	simm.s32 @p1 $0x1  }
0x15: {  	[smem:$0x3FB6] =	sst s0;
	s0 =	simm.s32 @!p2 $0x0  }
0x16: {  	s3 =	sld [smem:$0x3FDB];
	s0 =	simm.s32 @p2 $0x1  }
0x17: {  	s4 =	simm.s32 $0x1BF5;
	[smem:$0x3FB8] =	sst s0  }
0x18: {  	s0 =	sld [smem:$0x3F9B];
	_ =	swait.ge [sflag:s4], $0x0  }
0x19: {  	s7 =	sld [smem:$0x3F9C]  }
0x1a: {  	s8 =	sadd.s32 $0xFFFFE003, lr  }
0x1b: {  	s9 =	sadd.s32 $0xFFFFFEF7, lr;
	s5 =	simm.s32 $0xFFFFFFFF;
	p2 =	slt.u32 s8, $0xFFFFF086  }
0x1c: {  	p1 =	slt.u32 s9, $0xF7A;
	s5 =	simm.s32 @!p2 $0x0  }
0x1d: {  	s5 =	simm.s32 @p1 $0x1;
	p0 =	seq.s32 s7, s2  }
0x1e: {  	s7 =	smul.u32 @!p0 $0xF7A, s2;
	p2 =	seq.s32 @!p0 s5, $0x0  }
0x1f: {  	s9 =	smul.u32 $0xF7A, s1;
	s8 =	simm.s32 @!p0 $0x1BF5;
	p2 =	por !p2, p0  }
0x20: {  	[sflag:s8] =	ssyncset.s32 @!p0 $0xFFFFF086;
	s6 =	sadd.s32 @!p0 s3, s7;
	s7 =	simm.s32 @!p0 $0x108  }
0x21: {  	s3 =	sadd.s32 s3, s9;
	s6 =	sadd.s32 @!p0 $0x88, s6;
	s7 =	simm.s32 @p2 $0x1082  }
0x22: {  	[simem:s7], [sflag:s8] =	dma.local @!p0 [hbm:s6], $0xF7A  }
0x23: {  	s9 =	sor.u32 $0xD0000000, s2;
	s6 =	simm.s32 $0x108;
	_ =	swait.ge @!p0 [sflag:s8], $0x0  }
0x24: {  	s3 =	sadd.s32 $0x88, s3;
	s6 =	simm.s32 @!p1 $0x1082;
	[sflag:s4] =	ssyncset.s32 $0xFFFFF086  }
0x25: {  	[simem:s6], [sflag:s4] =	dma.local [hbm:s3], $0xF7A  }
0x26: {  	[smem:$0x3F9C] =	sst s1;
	(tag) =	ssettag s2;
	_ =	strace s9  }
0x27: {  	s1 =	sld [smem:$0x3FAC]  }
0x28: {  	s2 =	sld [smem:$0x3FAD]  }
0x29: {  	s4 =	sld [smem:$0x3FAF]  }
0x2a: {  	p0 =	seq.s32 s5, $0x0;
	s5 =	sld [smem:$0x3FB0]  }
0x2b: {  	s6 =	sld [smem:$0x3FB1]  }
0x2c: {  	s7 =	sld [smem:$0x3FB2]  }
0x2d: {  	s3 =	simm.s32 $0x108;
	s8 =	sld [smem:$0x3FB3]  }
0x2e: {  	s3 =	simm.s32 @!p0 $0x1082;
	s9 =	sld [smem:$0x3FB4]  }
0x2f: {  	lr =	sadd.s32 s0, s3;
	s0 =	sld [smem:$0x3FAB]  }
0x30: {  	s3 =	sld [smem:$0x3FAE]  }
0x31: {  	[smem:$0x3FB7] =	sst s10  }
0x32: {  	s10 =	sld [smem:$0x3FB5];
	_ =	sdelay $0x3  }
0x33: {  	p0 =	seq.s32 s10, $0x1;
	s10 =	sld [smem:$0x3FB7];
	_ =	sdelay $0x3  }
0x34: {  	[smem:$0x3FB7] =	sst s10  }
0x35: {  	s10 =	sld [smem:$0x3FB6];
	_ =	sdelay $0x3  }
0x36: {  	p1 =	seq.s32 s10, $0x1;
	s10 =	sld [smem:$0x3FB7];
	_ =	sdelay $0x3  }
0x37: {  	[smem:$0x3FB7] =	sst s10  }
0x38: {  	s10 =	sld [smem:$0x3FB8]  }
0x39: {  	_ = 	snop;
	(pc) =	sbr.ind lr, $3  }
0x3a: {  	_ = 	snop  }
0x3b: {  	_ = 	snop  }
0x3c: {  	p2 =	seq.s32 s10, $0x1;
	s10 =	sld [smem:$0x3FB7]  }
0x3d: {  	_ =	shalt  }
0x3e: {  	_ =	shalt  }
0x3f: {  	_ =	shalt  }
0x40: {  	_ =	shalt  }
0x41: {  	_ =	shalt  }
0x42: {  	_ =	shalt  }
0x43: {  	_ =	shalt  }
0x44: {  	_ =	shalt  }
0x45: {  	_ =	shalt  }
0x46: {  	_ =	shalt  }
0x47: {  	_ =	shalt  }
0x48: {  	_ =	shalt  }
0x49: {  	_ =	shalt  }
0x4a: {  	_ =	shalt  }
0x4b: {  	_ =	shalt  }
0x4c: {  	_ =	shalt  }
0x4d: {  	_ =	shalt  }
0x4e: {  	_ =	shalt  }
0x4f: {  	_ =	shalt  }
0x50: {  	_ =	shalt  }
0x51: {  	_ =	shalt  }
0x52: {  	_ =	shalt  }
0x53: {  	_ =	shalt  }
0x54: {  	_ =	shalt  }
0x55: {  	_ =	shalt  }
0x56: {  	_ =	shalt  }
0x57: {  	_ =	shalt  }
0x58: {  	_ =	shalt  }
0x59: {  	_ =	shalt  }
0x5a: {  	_ =	shalt  }
0x5b: {  	_ =	shalt  }
0x5c: {  	_ =	shalt  }
0x5d: {  	_ =	shalt  }
0x5e: {  	_ =	shalt  }
0x5f: {  	_ =	shalt  }
0x60: {  	_ =	shalt  }
0x61: {  	_ =	shalt  }
0x62: {  	_ =	shalt  }
0x63: {  	_ =	shalt  }
0x64: {  	_ =	shalt  }
0x65: {  	_ =	shalt  }
0x66: {  	_ =	shalt  }
0x67: {  	_ =	shalt  }
0x68: {  	_ =	shalt  }
0x69: {  	_ =	shalt  }
0x6a: {  	_ =	shalt  }
0x6b: {  	_ =	shalt  }
0x6c: {  	_ =	shalt  }
0x6d: {  	_ =	shalt  }
0x6e: {  	_ =	shalt  }
0x6f: {  	_ =	shalt  }
0x70: {  	_ =	shalt  }
0x71: {  	_ =	shalt  }
0x72: {  	_ =	shalt  }
0x73: {  	_ =	shalt  }
0x74: {  	_ =	shalt  }
0x75: {  	_ =	shalt  }
0x76: {  	_ =	shalt  }
0x77: {  	_ =	shalt  }
0x78: {  	_ =	shalt  }
0x79: {  	_ =	shalt  }
0x7a: {  	_ =	shalt  }
0x7b: {  	_ =	shalt  }
0x7c: {  	_ =	shalt  }
0x7d: {  	_ =	shalt  }
0x7e: {  	_ =	shalt  }
0x7f: {  	_ =	shalt  }
0x80: {  	_ =	shalt  }
0x81: {  	_ =	shalt  }
0x82: {  	_ =	shalt  }
0x83: {  	_ =	shalt  }
0x84: {  	_ =	shalt  }
0x85: {  	_ =	shalt  }
0x86: {  	_ =	shalt  }
0x87: {  	_ =	shalt  }
.Lfunc_end0:
.L_simem_size_0:
called_computation_lowered:
.L_overlay_start_0:
0x88: {  	s2 =	sld [smem:$0x3FD9]  }
0x89: {  	s3 =	sld [smem:$0x3FFE];
	_ =	sdelay $0x1  }
0x8a: {  	s1 =	srdreg.scid  }
0x8b: {  	s0 =	sand.u32 $0x1, s1  }
0x8c: {  	s17 =	sshll.u32 s0, $0xA;
	s2 =	sadd.s32 s3, s2  }
0x8d: {  	s2 =	sadd.s32 s2, s17  }
0x8e: {  	[smem:$0x3FC3] =	sst s2  }
0x8f: {  	_ = 	snop  }
0x90: {  	s2 =	sld [smem:$0x3FD0];
	(tm) =	ssettm $0x1  }
0x91: {  	s18 =	sld [smem:$0x3FFB];
	_ =	sdelay $0x3  }
0x92: {  	_ =	strace s18  }
0x93: {  	s3 =	sld [smem:$0x3FFC];
	_ =	sdelay $0x3  }
0x94: {  	_ =	strace s3  }
0x95: {  	s3 =	sld [smem:$0x3FFD];
	_ =	sdelay $0x3  }
0x96: {  	_ =	strace s3  }
0x97: {  	_ =	strace $0x8FFFFFFF  }
0x98: {  	s19 =	sld [smem:$0x3FDB];
	_ =	sdelay $0x1  }
0x99: {  	s4 =	simm.s32 $_scs_section_size  }
0x9a: {  	s5 =	simm.s32 $_size__tile_overlayer_lowered;
	s6 =	simm.s32 $_tile_overlayer_lowered  }
0x9b: {  	s22 =	simm.s32 $0x1BFF;
	s21 =	sshll.u32 s6, $0x1;
	s3 =	sadd.s32 s4, s19  }
0x9c: {  	s7 =	simm.s32 $0x0;
	s20 =	sshll.u32 s5, $0x1;
	s5 =	sadd.s32 s21, s3  }
0x9d: {  	[timem:s7], [sflag:s22] =	dma.local [hbm:s5], s20  }
0x9e: {  	_ =	swait.ge [sflag:s22], s20  }
0x9f: {  	s4 =	ssub.s32 $0x0, s20;
	[sflag:s22] =	ssyncset.done $0x0  }
0xa0: {  	[sflag:s22] =	ssyncadd.s32 s4;
	_ =	sdelay $0x1  }
0xa1: {  	s23 =	simm.s32 $0x1B8B  }
0xa2: {  	_ =	swait.ge [sflag:s23], $0x1  }
0xa3: {  	[sflag:s23] =	ssyncset.done $0x0  }
0xa4: {  	s25 =	simm.s32 $0x1B8E;
	s24 =	sld [smem:$0x3FFE];
	[sflag:s23] =	ssyncadd.s32 $0xFFFFFFFF  }
0xa5: {  	s26 =	simm.s32 $execute0_lowered;
	[smem:$0x3FD2] =	sst s25  }
0xa6: {  	s5 =	sshll.u32 s26, $0x1;
	_ =	strace $0x80000046;
	[dreg:$0x1] =	wrdreg $0xFFFFFFFF  }
0xa7: {  	s28 =	simm.s32 $_size_execute0_lowered;
	s3 =	sadd.s32 s3, s5;
	[dreg:$0x0] =	wrdreg $0x0  }
0xa8: {  	s5 =	sshll.u32 s28, $0x1;
	[dreg:$0x2] =	wrdreg s3  }
0xa9: {  	[dreg:$0x3] =	wrdreg s5  }
0xaa: {  	[dreg:$0x4] =	wrdreg $0xC0  }
0xab: {  	_ =	task [dreg:s7], $0x5FFFF  }
0xac: {  	[dreg:$0x1] =	wrdreg $0xFFFFFFFF  }
0xad: {  	[dreg:$0x0] =	wrdreg $0x60  }
0xae: {  	[dreg:$0x2] =	wrdreg s2  }
0xaf: {  	[dreg:$0x3] =	wrdreg s24  }
0xb0: {  	[dreg:$0x4] =	wrdreg $0xAE000  }
0xb1: {  	[dreg:$0x5] =	wrdreg $0x9  }
0xb2: {  	_ =	task.clear_ibuf [dreg:s7], $0x6FFFF;
	_ =	strace $0x90000046  }
0xb3: {  	s29 =	simm.s32 $0x9;
	_ =	strace $0x80000048  }
0xb4: {  	_ =	swait.ge [sflag:s29], $0x1  }
0xb5: {  	[sflag:s29] =	ssyncadd.s32 $0xFFFFFFFF  }
0xb6: {  	_ =	strace $0x90000048  }
0xb7: {  	_ =	sfence  }
0xb8: {  	s30 =	sld [smem:$0x0];
	_ =	sdelay $0x2  }
0xb9: {  	s31 =	sshll.u32 s1, $0xD;
	s1 =	sshrl.u32 s1, $0x2  }
0xba: {  	s3 =	sand.u32 $0x4000, s31;
	s1 =	sadd.s32 s1, s30  }
0xbb: {  	s0 =	sor.u32 s3, s0;
	s1 =	sshll.u32 s1, $0x11  }
0xbc: {  	s0 =	sor.u32 s1, s0  }
0xbd: {  	s0 =	sadd.s32 $0x8F2B, s0  }
0xbe: {  	[sflag:s0] =	ssyncadd.remote.s32 $0x1  }
0xbf: {  	_ =	sfence.sel $0xFFFF  }
0xc0: {  	[dreg:$0x0] =	wrdreg $0xFFFFFFFF;
	(pc) =	sbr.abs _section_cstart, $3  }
0xc1: {  	[dreg:$0x1] =	wrdreg $0xFFFFFFFF  }
0xc2: {  	_ =	task.clear_ibuf [dreg:s7], $0x2FFFF;
	_ =	strace $0x9FFFFFFF  }
0xc3: {  	(tm) =	ssettm $0x7FFFFFFF  }
tec
execute0_lowered:
.L_overlay_start_1:
0x0: {  	(tag) =	ssettag $0x1  }
0x1: {  	s0 =	rddreg [dreg:$0x0]  }
0x2: {  	s1 =	rddreg [dreg:$0x1];
	s2 =	srdreg.scid  }
0x3: {  	s3 =	rddreg [dreg:$0x2];
	s9 =	stileid.u32  }
0x4: {  	s4 =	simm.s32 $0x0;
	s28 =	simm.s32 $0x3;
	s29 =	simm.s32 $0x100  }
0x5: {  	s30 =	simm.s32 $0x2;
	s31 =	simm.s32 $0x4;
	s12 =	smul.u32 $0x500, s9  }
0x6: {  	s2 =	sand.u32 $0x1, s2;
	s6 =	smul.u32 $0x280, s9;
	[smem:$0x7FF] =	sst s4  }
0x7: {  	s16 =	sshll.u32 s9, $0x7;
	s10 =	sadd.s32 $0x10800, s1;
	s5 =	smul.u32 $0x5000, s2  }
0x8: {  	s7 =	sshll.u32 s2, $0x4;
	s8 =	smul.u32 $0x2800, s2;
	_ =	strace $0x80000047  }
0x9: {  	[dreg:$0x4] =	wrdreg s10;
	s17 =	sand.u32 $0x380, s16;
	s2 =	ssub.s32 $0x2, s2  }
0xa: {  	s7 =	sor.u32 s9, s7;
	s11 =	sadd.s32 s12, s1;
	s9 =	smul.u32 $0x50000, s9  }
0xb: {  	s20 =	sshrl.u32 s2, $0x1;
	s5 =	sadd.s32 s5, s1;
	s7 =	sshrl.u32 s7, $0x3  }
0xc: {  	s6 =	sadd.s32 s6, s8;
	s2 =	ssub.s32 s2, s20;
	s11 =	sadd.s32 $0x1800, s11  }
0xd: {  	s20 =	simm.s32 $0x5;
	s7 =	smul.u32 $0x14000, s7;
	s6 =	sshll.u32 s6, $0x4  }
0xe: {  	s18 =	sshrl.u32 s9, $0x2;
	s26 =	smax.u32 s2, $0x1;
	s13 =	sadd.s32 s6, s1  }
0xf: {  	s5 =	sadd.s32 $0x6800, s5;
	[dreg:$0xb] =	wrdreg s26;
	s21 =	sadd.s32 $0x1B000, s13  }
0x10: {  	s26 =	simm.s32 $0x8600;
	s22 =	sadd.s32 $0x1B800, s13;
	[dreg:$0x6] =	wrdreg s21  }
0x11: {  	s6 =	sor.u32 s17, s7;
	s23 =	sadd.s32 $0x1C000, s13;
	[dreg:$0x7] =	wrdreg s22  }
0x12: {  	s24 =	sadd.s32 $0x1C800, s13;
	s25 =	sadd.s32 $0x1D000, s13;
	[dreg:$0x8] =	wrdreg s23  }
0x13: {  	s19 =	sshrl.u32 s6, $0x3;
	s6 =	sadd.s32 s18, s3;
	[dreg:$0x9] =	wrdreg s24  }
0x14: {  	[dreg:$0xa] =	wrdreg s25;
	s21 =	sadd.s32 s12, s5;
	s23 =	simm.s32 $0x80  }
0x15: {  	s24 =	simm.s32 $0x4600;
	s25 =	simm.s32 $0x1;
	s22 =	simm.s32 $0x0  }
0x16: {  	s1 =	sadd.s32 s19, s1;
	s7 =	sadd.s32 $0x4000, s6;
	s8 =	sadd.s32 $0x8000, s6  }
0x17: {  	s9 =	sadd.s32 $0xC000, s6;
	s10 =	sadd.s32 $0x10000, s6;
	s1 =	sadd.s32 $0x11000, s1  }
0x18: {  	v0 =	vimm.f32 $0.0e+00;
	v1 =	vimm.f32 $1.000000000e+00;
	s19 =	simm.s32 $0x600;
	[dreg:$0x5] =	wrdreg s1;
	s1 =	simm.s32 $0x180  }
.LBB2_1:
0x19: {  	s2 =	simm.s32 $0x40;
	s5 =	simm.s32 $0x0  }
.LBB2_2:
0x1a: {  	p0 =	sne.s32 s2, $0x9FC0;
	[tilespmem:s5+$0x8600] =	vst v0;
	s5 =	smov.u32 s2;
	s2 =	sadd.s32 $0x40, s2  }
.Ltmp0:
0x1b: {  	(pc) =	sbr.rel @p0 .LBB2_2-.Ltmp0, $2  }
0x1c: {  	_ =	sdelay $0x2  }
0x1d: {  	s5 =	sshra.s32 s5, $0x2  }
0x1e: {  	[tilespmem:s5+$0x8600] =	vst v0;
	s2 =	simm.s32 $0x0;
	s17 =	rddreg [dreg:$0x4]  }
0x1f: {  	[tilespmem:s19], [sflag:$0x5] =	stream.linear.gather [hbm4b:s17+s2], $0x4000, $0x38;
	[tilespmem:$0x1EE00] =	vst v63  }
0x20: {  	_ =	swait.ge [sflag:s20], $0x4000  }
0x21: {  	[sflag:s20] =	ssyncset.done $0x0  }
0x22: {  	[sflag:s20] =	ssyncadd.s32 $0xFFFFC000  }
0x23: {  	[spmem:s6] =	stream.linear.scatter [tilespmem:s19], [sflag:$0x5], $0x4000, $0x38;
	[tilespmem:$0x1EE00] =	vst v63  }
0x24: {  	_ =	swait.ge [sflag:s20], $0x4000  }
0x25: {  	[sflag:s20] =	ssyncset.done $0x0  }
0x26: {  	[sflag:s20] =	ssyncadd.s32 $0xFFFFC000  }
0x27: {  	[spmem:s7] =	stream.linear.scatter [tilespmem:s19], [sflag:$0x5], $0x4000, $0x38;
	[tilespmem:$0x1EE00] =	vst v63  }
0x28: {  	_ =	swait.ge [sflag:s20], $0x4000  }
0x29: {  	[sflag:s20] =	ssyncset.done $0x0  }
0x2a: {  	[sflag:s20] =	ssyncadd.s32 $0xFFFFC000  }
0x2b: {  	[spmem:s8] =	stream.linear.scatter [tilespmem:s19], [sflag:$0x5], $0x4000, $0x38;
	[tilespmem:$0x1EE00] =	vst v63  }
0x2c: {  	_ =	swait.ge [sflag:s20], $0x4000  }
0x2d: {  	[sflag:s20] =	ssyncset.done $0x0  }
0x2e: {  	[sflag:s20] =	ssyncadd.s32 $0xFFFFC000  }
0x2f: {  	[spmem:s9] =	stream.linear.scatter [tilespmem:s19], [sflag:$0x5], $0x4000, $0x38;
	[tilespmem:$0x1EE00] =	vst v63  }
0x30: {  	_ =	swait.ge [sflag:s20], $0x4000  }
0x31: {  	[sflag:s20] =	ssyncset.done $0x0  }
0x32: {  	[sflag:s20] =	ssyncadd.s32 $0xFFFFC000  }
0x33: {  	[spmem:s10] =	stream.linear.scatter [tilespmem:s19], [sflag:$0x5], $0x4000, $0x38;
	[tilespmem:$0x1EE00] =	vst v63  }
0x34: {  	_ =	swait.ge [sflag:s20], $0x4000  }
0x35: {  	[sflag:s20] =	ssyncset.done $0x0  }
0x36: {  	[sflag:s20] =	ssyncadd.s32 $0xFFFFC000  }
0x37: {  	[bflag:$0x0] =	sbarrier.arrive $0xFFFF  }
0x38: {  	[tilespmem:s2], [sflag:$0x5] =	stream.linear.gather [hbm4b:s21+s2], $0x200, $0x38;
	[tilespmem:$0x1EE00] =	vst v63  }
0x39: {  	_ =	swait.ge [sflag:s20], $0x200  }
0x3a: {  	[sflag:s20] =	ssyncset.done $0x0  }
0x3b: {  	s18 =	simm.s32 $0x200;
	[sflag:s20] =	ssyncadd.s32 $0xFFFFFE00  }
0x3c: {  	[tilespmem:s18], [sflag:$0x5] =	stream.linear.gather [hbm4b:s11+s2], $0x200, $0x38;
	[tilespmem:$0x1EE00] =	vst v63  }
0x3d: {  	_ =	swait.ge [sflag:s20], $0x200  }
0x3e: {  	s5 =	sadd.s32 $0x40, s21;
	[sflag:s20] =	ssyncset.done $0x0  }
0x3f: {  	s12 =	sadd.s32 $0x40, s11;
	s13 =	simm.s32 $0x0;
	[sflag:s20] =	ssyncadd.s32 $0xFFFFFE00  }
0x40: {  	[tilespmem:s19], [sflag:$0x1] =	stream.indirect.gather [hbm4b:s0+s23], $0x80, s2, s23, $0xb8;
	[tilespmem:$0x1EE00] =	vst v63  }
.LBB2_4:
0x41: {  	p0 =	seq.s32 s13, $0x0  }
0x42: {  	s14 =	simm.s32 @!p0 $0x4  }
0x43: {  	_ =	swait.ge @!p0 [sflag:s14], $0x4000  }
0x44: {  	[sflag:s14] =	ssyncset.done @!p0 $0x0  }
0x45: {  	[sflag:s14] =	ssyncadd.s32 @!p0 $0xFFFFC000  }
0x46: {  	[tilespmem:s24], [sflag:$0x2] =	stream.indirect.gather [hbm4b:s0+s23], $0x80, s23, s23, $0xb8;
	[tilespmem:$0x1EE00] =	vst v63  }
0x47: {  	_ =	swait.ge [sflag:s25], $0x4000  }
0x48: {  	s14 =	sand.u32 $0x200, s2;
	[sflag:s25] =	ssyncset.done $0x0  }
0x49: {  	s15 =	sadd.s32 $0x200, s14;
	[sflag:s25] =	ssyncadd.s32 $0xFFFFC000  }
0x4a: {  	[spmem:s3] =	stream.indirect.scatter.add.f32 [tilespmem:s19], [sflag:$0x3], $0x80, s15, s23, $0xb8;
	[tilespmem:$0x1EE00] =	vst v63  }
0x4b: {  	v2 =	vld [tilespmem:s14+$0x200];
	_ =	sdelay $0x7  }
0x4c: {  	[tilespmem:v2+s26+$0x0] =	vst.idx.add.f32.msk $0xffff, v1  }
0x4d: {  	v2 =	vld [tilespmem:s14+$0x210];
	_ =	sdelay $0x7  }
0x4e: {  	[tilespmem:v2+s26+$0x0] =	vst.idx.add.f32.msk $0xffff, v1  }
0x4f: {  	v2 =	vld [tilespmem:s14+$0x220];
	_ =	sdelay $0x7  }
0x50: {  	[tilespmem:v2+s26+$0x0] =	vst.idx.add.f32.msk $0xffff, v1  }
0x51: {  	v2 =	vld [tilespmem:s14+$0x230];
	_ =	sdelay $0x7  }
0x52: {  	[tilespmem:v2+s26+$0x0] =	vst.idx.add.f32.msk $0xffff, v1  }
0x53: {  	v2 =	vld [tilespmem:s14+$0x240];
	_ =	sdelay $0x7  }
0x54: {  	[tilespmem:v2+s26+$0x0] =	vst.idx.add.f32.msk $0xffff, v1  }
0x55: {  	v2 =	vld [tilespmem:s14+$0x250];
	_ =	sdelay $0x7  }
0x56: {  	[tilespmem:v2+s26+$0x0] =	vst.idx.add.f32.msk $0xffff, v1  }
0x57: {  	v2 =	vld [tilespmem:s14+$0x260];
	_ =	sdelay $0x7  }
0x58: {  	[tilespmem:v2+s26+$0x0] =	vst.idx.add.f32.msk $0xffff, v1  }
0x59: {  	v2 =	vld [tilespmem:s14+$0x270];
	_ =	sdelay $0x7  }
0x5a: {  	[tilespmem:v2+s26+$0x0] =	vst.idx.add.f32.msk $0xffff, v1  }
0x5b: {  	_ =	swait.ge [sflag:s28], $0x4000  }
0x5c: {  	[sflag:s28] =	ssyncset.done $0x0  }
0x5d: {  	[sflag:s28] =	ssyncadd.s32 $0xFFFFC000  }
0x5e: {  	[tilespmem:s19], [sflag:$0x1] =	stream.indirect.gather [hbm4b:s0+s23], $0x80, s29, s23, $0xb8;
	[tilespmem:$0x1EE00] =	vst v63  }
0x5f: {  	_ =	swait.ge [sflag:s30], $0x4000  }
0x60: {  	[sflag:s30] =	ssyncset.done $0x0  }
0x61: {  	s16 =	sadd.s32 $0x280, s14;
	[sflag:s30] =	ssyncadd.s32 $0xFFFFC000  }
0x62: {  	[spmem:s3] =	stream.indirect.scatter.add.f32 [tilespmem:s24], [sflag:$0x4], $0x80, s16, s23, $0xb8;
	[tilespmem:$0x1EE00] =	vst v63  }
0x63: {  	v2 =	vld [tilespmem:s14+$0x280];
	_ =	sdelay $0x7  }
0x64: {  	[tilespmem:v2+s26+$0x0] =	vst.idx.add.f32.msk $0xffff, v1  }
0x65: {  	v2 =	vld [tilespmem:s14+$0x290];
	_ =	sdelay $0x7  }
0x66: {  	[tilespmem:v2+s26+$0x0] =	vst.idx.add.f32.msk $0xffff, v1  }
0x67: {  	v2 =	vld [tilespmem:s14+$0x2A0];
	_ =	sdelay $0x7  }
0x68: {  	[tilespmem:v2+s26+$0x0] =	vst.idx.add.f32.msk $0xffff, v1  }
0x69: {  	v2 =	vld [tilespmem:s14+$0x2B0];
	_ =	sdelay $0x7  }
0x6a: {  	[tilespmem:v2+s26+$0x0] =	vst.idx.add.f32.msk $0xffff, v1  }
0x6b: {  	v2 =	vld [tilespmem:s14+$0x2C0];
	_ =	sdelay $0x7  }
0x6c: {  	[tilespmem:v2+s26+$0x0] =	vst.idx.add.f32.msk $0xffff, v1  }
0x6d: {  	v2 =	vld [tilespmem:s14+$0x2D0];
	_ =	sdelay $0x7  }
0x6e: {  	[tilespmem:v2+s26+$0x0] =	vst.idx.add.f32.msk $0xffff, v1  }
0x6f: {  	v2 =	vld [tilespmem:s14+$0x2E0];
	_ =	sdelay $0x7  }
0x70: {  	[tilespmem:v2+s26+$0x0] =	vst.idx.add.f32.msk $0xffff, v1  }
0x71: {  	v2 =	vld [tilespmem:s14+$0x2F0];
	_ =	sdelay $0x7  }
0x72: {  	[tilespmem:v2+s26+$0x0] =	vst.idx.add.f32.msk $0xffff, v1  }
0x73: {  	_ =	swait.ge [sflag:s31], $0x4000  }
0x74: {  	[sflag:s31] =	ssyncset.done $0x0  }
0x75: {  	[sflag:s31] =	ssyncadd.s32 $0xFFFFC000  }
0x76: {  	[tilespmem:s24], [sflag:$0x2] =	stream.indirect.gather [hbm4b:s0+s23], $0x80, s1, s23, $0xb8;
	[tilespmem:$0x1EE00] =	vst v63  }
0x77: {  	_ =	swait.ge [sflag:s25], $0x4000  }
0x78: {  	[sflag:s25] =	ssyncset.done $0x0  }
0x79: {  	s17 =	sadd.s32 $0x300, s14;
	[sflag:s25] =	ssyncadd.s32 $0xFFFFC000  }
0x7a: {  	[spmem:s3] =	stream.indirect.scatter.add.f32 [tilespmem:s19], [sflag:$0x3], $0x80, s17, s23, $0xb8;
	[tilespmem:$0x1EE00] =	vst v63  }
0x7b: {  	v2 =	vld [tilespmem:s14+$0x300];
	_ =	sdelay $0x7  }
0x7c: {  	[tilespmem:v2+s26+$0x0] =	vst.idx.add.f32.msk $0xffff, v1  }
0x7d: {  	v2 =	vld [tilespmem:s14+$0x310];
	_ =	sdelay $0x7  }
0x7e: {  	[tilespmem:v2+s26+$0x0] =	vst.idx.add.f32.msk $0xffff, v1  }
0x7f: {  	v2 =	vld [tilespmem:s14+$0x320];
	_ =	sdelay $0x7  }
0x80: {  	[tilespmem:v2+s26+$0x0] =	vst.idx.add.f32.msk $0xffff, v1  }
0x81: {  	v2 =	vld [tilespmem:s14+$0x330];
	_ =	sdelay $0x7  }
0x82: {  	[tilespmem:v2+s26+$0x0] =	vst.idx.add.f32.msk $0xffff, v1  }
0x83: {  	v2 =	vld [tilespmem:s14+$0x340];
	_ =	sdelay $0x7  }
0x84: {  	[tilespmem:v2+s26+$0x0] =	vst.idx.add.f32.msk $0xffff, v1  }
0x85: {  	v2 =	vld [tilespmem:s14+$0x350];
	_ =	sdelay $0x7  }
0x86: {  	[tilespmem:v2+s26+$0x0] =	vst.idx.add.f32.msk $0xffff, v1  }
0x87: {  	v2 =	vld [tilespmem:s14+$0x360];
	_ =	sdelay $0x7  }
0x88: {  	[tilespmem:v2+s26+$0x0] =	vst.idx.add.f32.msk $0xffff, v1  }
0x89: {  	v2 =	vld [tilespmem:s14+$0x370];
	_ =	sdelay $0x7  }
0x8a: {  	[tilespmem:v2+s26+$0x0] =	vst.idx.add.f32.msk $0xffff, v1  }
0x8b: {  	_ =	swait.ge [sflag:s30], $0x4000  }
0x8c: {  	[sflag:s30] =	ssyncset.done $0x0  }
0x8d: {  	p0 =	seq.s32 s13, $0x4C0;
	s18 =	sadd.s32 $0x380, s14;
	[sflag:s30] =	ssyncadd.s32 $0xFFFFC000  }
0x8e: {  	[spmem:s3] =	stream.indirect.scatter.add.f32 [tilespmem:s24], [sflag:$0x4], $0x80, s18, s23, $0xb8;
	[tilespmem:$0x1EE00] =	vst v63  }
0x8f: {  	s15 =	sadd.s32 @!p0 s13, s5;
	s16 =	simm.s32 @!p0 $0x0  }
0x90: {  	[tilespmem:s16], [sflag:$0x5] =	stream.linear.gather @!p0 [hbm4b:s15+s16], $0x200, $0x38;
	[tilespmem:$0x1EE00] =	vst v63  }
0x91: {  	s15 =	simm.s32 @!p0 $0x5  }
0x92: {  	_ =	swait.ge @!p0 [sflag:s15], $0x200  }
0x93: {  	s17 =	sxor.u32 @!p0 $0x200, s14;
	[sflag:s15] =	ssyncset.done @!p0 $0x0  }
0x94: {  	s17 =	sadd.s32 @!p0 $0x200, s17;
	s18 =	sadd.s32 @!p0 s13, s12;
	[sflag:s15] =	ssyncadd.s32 @!p0 $0xFFFFFE00  }
0x95: {  	[tilespmem:s17], [sflag:$0x5] =	stream.linear.gather @!p0 [hbm4b:s18+s16], $0x200, $0x38;
	[tilespmem:$0x1EE00] =	vst v63  }
0x96: {  	_ =	swait.ge @!p0 [sflag:s15], $0x200  }
0x97: {  	[sflag:s15] =	ssyncset.done @!p0 $0x0  }
0x98: {  	[sflag:s15] =	ssyncadd.s32 @!p0 $0xFFFFFE00;
	s15 =	simm.s32 @!p0 $0x3  }
0x99: {  	_ =	swait.ge @!p0 [sflag:s15], $0x4000  }
0x9a: {  	[sflag:s15] =	ssyncset.done @!p0 $0x0  }
0x9b: {  	s17 =	simm.s32 @!p0 $0x600;
	[sflag:s15] =	ssyncadd.s32 @!p0 $0xFFFFC000;
	s15 =	simm.s32 @!p0 $0x80  }
0x9c: {  	[tilespmem:s17], [sflag:$0x1] =	stream.indirect.gather @!p0 [hbm4b:s0+s15], $0x80, s16, s15, $0xb8;
	[tilespmem:$0x1EE00] =	vst v63  }
0x9d: {  	v2 =	vld [tilespmem:s14+$0x380];
	_ =	sdelay $0x7  }
0x9e: {  	[tilespmem:v2+s26+$0x0] =	vst.idx.add.f32.msk $0xffff, v1  }
0x9f: {  	v2 =	vld [tilespmem:s14+$0x390];
	_ =	sdelay $0x7  }
0xa0: {  	[tilespmem:v2+s26+$0x0] =	vst.idx.add.f32.msk $0xffff, v1  }
0xa1: {  	v2 =	vld [tilespmem:s14+$0x3A0];
	_ =	sdelay $0x7  }
0xa2: {  	[tilespmem:v2+s26+$0x0] =	vst.idx.add.f32.msk $0xffff, v1  }
0xa3: {  	v2 =	vld [tilespmem:s14+$0x3B0];
	_ =	sdelay $0x7  }
0xa4: {  	[tilespmem:v2+s26+$0x0] =	vst.idx.add.f32.msk $0xffff, v1  }
0xa5: {  	v2 =	vld [tilespmem:s14+$0x3C0];
	_ =	sdelay $0x7  }
0xa6: {  	[tilespmem:v2+s26+$0x0] =	vst.idx.add.f32.msk $0xffff, v1  }
0xa7: {  	v2 =	vld [tilespmem:s14+$0x3D0];
	_ =	sdelay $0x7  }
0xa8: {  	[tilespmem:v2+s26+$0x0] =	vst.idx.add.f32.msk $0xffff, v1  }
0xa9: {  	v2 =	vld [tilespmem:s14+$0x3E0];
	_ =	sdelay $0x7  }
0xaa: {  	[tilespmem:v2+s26+$0x0] =	vst.idx.add.f32.msk $0xffff, v1  }
0xab: {  	v2 =	vld [tilespmem:s14+$0x3F0];
	_ =	sdelay $0x1  }
0xac: {  	s13 =	sadd.s32 $0x40, s13  }
0xad: {  	p0 =	sne.s32 s13, $0x500  }
.Ltmp1:
0xae: {  	_ = 	snop;
	(pc) =	sbr.rel @p0 .LBB2_4-.Ltmp1, $2  }
0xaf: {  	_ =	sdelay $0x2  }
0xb0: {  	s2 =	sadd.s32 $0x200, s2;
	[tilespmem:v2+s26+$0x0] =	vst.idx.add.f32.msk $0xffff, v1  }
0xb1: {  	_ =	swait.ge [sflag:s28], $0x4000  }
0xb2: {  	[sflag:s28] =	ssyncset.done $0x0  }
0xb3: {  	[sflag:s28] =	ssyncadd.s32 $0xFFFFC000  }
0xb4: {  	_ =	swait.ge [sflag:s31], $0x4000  }
0xb5: {  	[sflag:s31] =	ssyncset.done $0x0  }
0xb6: {  	s5 =	simm.s32 $0x400;
	s2 =	rddreg [dreg:$0x5];
	[sflag:s31] =	ssyncadd.s32 $0xFFFFC000  }
0xb7: {  	[hbm4b:s2+s23] =	stream.strided.scatter [tilespmem:s26], [sflag:$0x5], $0x2800, s5, s23, $0x38;
	[tilespmem:$0x1EE00] =	vst v63  }
0xb8: {  	_ =	swait.ge [sflag:s20], $0x2800  }
0xb9: {  	[sflag:s20] =	ssyncset.done $0x0  }
0xba: {  	[sflag:s20] =	ssyncadd.s32 $0xFFFFD800  }
0xbb: {  	[bflag:$0x0] =	sbarrier.arrive $0xFFFF  }
0xbc: {  	[tilespmem:s19], [sflag:$0x5] =	stream.linear.gather [spmem:s6], $0x4000, $0x38;
	[tilespmem:$0x1EE00] =	vst v63  }
0xbd: {  	_ =	swait.ge [sflag:s20], $0x4000  }
0xbe: {  	[sflag:s20] =	ssyncset.done $0x0  }
0xbf: {  	s13 =	rddreg [dreg:$0x6];
	[sflag:s20] =	ssyncadd.s32 $0xFFFFC000  }
0xc0: {  	[hbm4b:s13+s4] =	stream.linear.scatter [tilespmem:s19], [sflag:$0x5], $0x4000, $0x38;
	[tilespmem:$0x1EE00] =	vst v63  }
0xc1: {  	_ =	swait.ge [sflag:s20], $0x4000  }
0xc2: {  	[sflag:s20] =	ssyncset.done $0x0  }
0xc3: {  	[sflag:s20] =	ssyncadd.s32 $0xFFFFC000  }
0xc4: {  	[tilespmem:s19], [sflag:$0x5] =	stream.linear.gather [spmem:s7], $0x4000, $0x38;
	[tilespmem:$0x1EE00] =	vst v63  }
0xc5: {  	_ =	swait.ge [sflag:s20], $0x4000  }
0xc6: {  	[sflag:s20] =	ssyncset.done $0x0  }
0xc7: {  	s14 =	rddreg [dreg:$0x7];
	[sflag:s20] =	ssyncadd.s32 $0xFFFFC000  }
0xc8: {  	[hbm4b:s14+s4] =	stream.linear.scatter [tilespmem:s19], [sflag:$0x5], $0x4000, $0x38;
	[tilespmem:$0x1EE00] =	vst v63  }
0xc9: {  	_ =	swait.ge [sflag:s20], $0x4000  }
0xca: {  	[sflag:s20] =	ssyncset.done $0x0  }
0xcb: {  	[sflag:s20] =	ssyncadd.s32 $0xFFFFC000  }
0xcc: {  	[tilespmem:s19], [sflag:$0x5] =	stream.linear.gather [spmem:s8], $0x4000, $0x38;
	[tilespmem:$0x1EE00] =	vst v63  }
0xcd: {  	_ =	swait.ge [sflag:s20], $0x4000  }
0xce: {  	[sflag:s20] =	ssyncset.done $0x0  }
0xcf: {  	s15 =	rddreg [dreg:$0x8];
	[sflag:s20] =	ssyncadd.s32 $0xFFFFC000  }
0xd0: {  	[hbm4b:s15+s4] =	stream.linear.scatter [tilespmem:s19], [sflag:$0x5], $0x4000, $0x38;
	[tilespmem:$0x1EE00] =	vst v63  }
0xd1: {  	_ =	swait.ge [sflag:s20], $0x4000  }
0xd2: {  	[sflag:s20] =	ssyncset.done $0x0  }
0xd3: {  	[sflag:s20] =	ssyncadd.s32 $0xFFFFC000  }
0xd4: {  	[tilespmem:s19], [sflag:$0x5] =	stream.linear.gather [spmem:s9], $0x4000, $0x38;
	[tilespmem:$0x1EE00] =	vst v63  }
0xd5: {  	_ =	swait.ge [sflag:s20], $0x4000  }
0xd6: {  	[sflag:s20] =	ssyncset.done $0x0  }
0xd7: {  	s16 =	rddreg [dreg:$0x9];
	[sflag:s20] =	ssyncadd.s32 $0xFFFFC000  }
0xd8: {  	[hbm4b:s16+s4] =	stream.linear.scatter [tilespmem:s19], [sflag:$0x5], $0x4000, $0x38;
	[tilespmem:$0x1EE00] =	vst v63  }
0xd9: {  	_ =	swait.ge [sflag:s20], $0x4000  }
0xda: {  	[sflag:s20] =	ssyncset.done $0x0  }
0xdb: {  	[sflag:s20] =	ssyncadd.s32 $0xFFFFC000  }
0xdc: {  	[tilespmem:s19], [sflag:$0x5] =	stream.linear.gather [spmem:s10], $0x4000, $0x38;
	[tilespmem:$0x1EE00] =	vst v63  }
0xdd: {  	_ =	swait.ge [sflag:s20], $0x4000  }
0xde: {  	[sflag:s20] =	ssyncset.done $0x0  }
0xdf: {  	s17 =	rddreg [dreg:$0xa];
	[sflag:s20] =	ssyncadd.s32 $0xFFFFC000  }
0xe0: {  	[hbm4b:s17+s4] =	stream.linear.scatter [tilespmem:s19], [sflag:$0x5], $0x4000, $0x38;
	[tilespmem:$0x1EE00] =	vst v63  }
0xe1: {  	_ =	swait.ge [sflag:s20], $0x4000  }
0xe2: {  	s22 =	sadd.s32 $0x1, s22;
	s18 =	rddreg [dreg:$0xb]  }
0xe3: {  	p0 =	sne.s32 s22, s18  }
.Ltmp2:
0xe4: {  	_ = 	snop;
	(pc) =	sbr.rel @p0 .LBB2_1-.Ltmp2, $3  }
0xe5: {  	_ =	sdelay $0x1  }
0xe6: {  	[sflag:s20] =	ssyncset.done $0x0  }
0xe7: {  	[sflag:s20] =	ssyncadd.s32 $0xFFFFC000  }
0xe8: {  	_ =	sfence.sel $0x180000  }
0xe9: {  	[bflag:$0x0] =	sbarrier.arrive $0xFFFF  }
0xea: {  	_ =	strace $0x90000047  }
0xeb: {  	s0 =	stileid.u32;
	[bflag:$0x2] =	sbarrier.arrive $0xFFFF  }
0xec: {  	p0 =	sne.s32 s0, $0x0;
	s0 =	rddreg [dreg:$0x3]  }
0xed: {  	s0 =	sadd.s32 @!p0 $0x100000, s0  }
0xee: {  	[sflag:s0] =	ssyncadd.tile.s32 @!p0 $0x1;
	_ =	shalt  }
.Lfunc_end2:
_tile_overlayer_lowered:
.L_overlay_start_2:
0xef: {  	(tag) =	ssettag $0x2  }
0xf0: {  	s0 =	rddreg [dreg:$0x0];
	s2 =	stileid.u32  }
0xf1: {  	s1 =	rddreg [dreg:$0x1];
	p0 =	sne.s32 s2, $0x0  }
0xf2: {  	s3 =	rddreg [dreg:$0x2];
	[bflag:$0x3] =	sbarrier.arrive $0xFFFF;
	s2 =	simm.s32 @!p0 $0x1C05  }
0xf3: {  	[timem:s3], [sflag:s2] =	dma.local @!p0 [hbm:s0], s1  }
0xf4: {  	s0 =	simm.s32 @!p0 $0x5  }
0xf5: {  	_ =	swait.ge @!p0 [sflag:s0], s1  }
0xf6: {  	s1 =	ssub.s32 @!p0 $0x0, s1;
	[sflag:s0] =	ssyncset.done @!p0 $0x0  }
0xf7: {  	[sflag:s0] =	ssyncadd.s32 @!p0 s1  }
0xf8: {  	[bflag:$0x3] =	sbarrier.arrive $0xFFFF  }
0xf9: {  	_ =	shalt  }

</sc_bundles>
